<compile_context>
chip_gen: v7x
topology: tpu7x:2x2x1
jax: 0.10.2.dev20260603
libtpu: 0.0.44.dev20260713+nightly
codegen_flags: <defaults>
</compile_context>

<pallas_src>
import functools

import jax
import jax.numpy as jnp
from jax import lax
from jax.experimental import pallas as pl
from jax.experimental.pallas import tpu as pltpu
from jax.experimental.pallas import tpu_sc as plsc

N = 10000
D = 128
H = 64
STEPS = 10
ALPHA = 0.1
NS = 16
NP = 10240
RPT = NP // NS
BCH = 128
NBCH = RPT // BCH
K = 128
CHUNKS = 160
EPT = K * CHUNKS
EP = EPT * NS


def _mm_body(x_ref, wt_ref, b_ref, i_lo, i_hi, s_lo, s_hi):
    acc = jnp.dot(x_ref[...], wt_ref[...], preferred_element_type=jnp.float32)
    acc = acc + b_ref[...]
    seed = acc * jnp.float32(ALPHA / (1.0 - ALPHA))
    i_lo[...] = acc[:, :H]
    i_hi[...] = acc[:, H:]
    s_lo[...] = seed[:, :H]
    s_hi[...] = seed[:, H:]


_mm = pl.pallas_call(
    _mm_body,
    out_shape=[jax.ShapeDtypeStruct((NP, H), jnp.float32)] * 4,
)


KB = 2
NB = 2 * KB
NBATCH = CHUNKS // KB


def _sc_body(row_hbm, col_hbm, init_lo, init_hi, seed_lo, seed_hi,
             out_lo, out_hi,
             rowbuf, colbuf, gbuf, acc, gsem, ssem):
    c = lax.axis_index("c")
    s = lax.axis_index("s")

    pltpu.sync_copy(row_hbm.at[s], rowbuf)
    pltpu.sync_copy(col_hbm.at[s], colbuf)

    def half(init_h, seed_h, out_h):
        base = s * RPT
        abuf = gbuf.at[0]
        ibuf = gbuf.at[1]

        def drain(sem):
            pltpu.make_async_copy(out_h.at[pl.ds(0, K)], gbuf.at[2], sem).wait()

        def seed_chunk(j, carry):
            sl = pl.ds(base + j * BCH, BCH)
            pltpu.sync_copy(init_h.at[sl], abuf)
            pltpu.sync_copy(abuf, out_h.at[sl])
            pltpu.sync_copy(seed_h.at[sl], ibuf)
            pltpu.sync_copy(ibuf, acc.at[sl])
            return carry

        lax.fori_loop(0, NBCH, seed_chunk, 0)
        plsc.subcore_barrier()

        def step(si, carry):
            _scope_a = jax.named_scope("phaseA")
            _scope_a.__enter__()
            for j in range(KB):
                pltpu.async_copy(out_h.at[rowbuf.at[j]], gbuf.at[j], gsem)

            def batch(g, cc):
                cur = lax.rem(g, 2) * KB
                nxt = lax.rem(g + 1, 2) * KB
                for j in range(KB):
                    drain(gsem)

                @pl.when(g >= 1)
                def _():
                    for j in range(KB):
                        drain(ssem)

                @pl.when(g + 1 < NBATCH)
                def _():
                    for j in range(KB):
                        ci = (g + 1) * KB + j
                        pltpu.async_copy(out_h.at[pl.ds(lax.rem(ci, 80) * K, K)],
                                         gbuf.at[nxt + j], gsem)

                for j in range(KB):
                    ci = g * KB + j
                    pltpu.async_copy(gbuf.at[cur + j],
                                     acc.at[pl.ds(lax.rem(ci, 80) * K, K)],
                                     ssem)
                return cc

            lax.fori_loop(0, 1, batch, 0)
            for j in range(KB):
                drain(ssem)
            for j in range(KB):
                drain(gsem)
            plsc.subcore_barrier()
            _scope_a.__exit__(None, None, None)

            _scope_b = jax.named_scope("phaseB")
            _scope_b.__enter__()
            def blend_chunk(j, cc):
                sl = pl.ds(base + j * BCH, BCH)
                pltpu.sync_copy(acc.at[sl], abuf)
                pltpu.sync_copy(seed_h.at[sl], ibuf)

                def brow(r, rc):
                    for cg in range(H // 16):
                        cs = pl.ds(cg * 16, 16)
                        abuf[r, cs] = abuf[r, cs] * jnp.float32(1.0 - ALPHA)
                    return rc

                lax.fori_loop(0, BCH, brow, 0)
                pltpu.sync_copy(abuf, out_h.at[sl])
                pltpu.sync_copy(ibuf, acc.at[sl])
                return cc

            lax.fori_loop(0, NBCH, blend_chunk, 0)
            plsc.subcore_barrier()
            _scope_b.__exit__(None, None, None)
            return carry

        lax.fori_loop(0, STEPS, step, 0)

    @pl.when(c == 0)
    def _():
        half(init_lo, seed_lo, out_lo)

    @pl.when(c == 1)
    def _():
        half(init_hi, seed_hi, out_hi)


_prop = pl.kernel(
    _sc_body,
    out_type=[jax.ShapeDtypeStruct((NP, H), jnp.float32),
              jax.ShapeDtypeStruct((NP, H), jnp.float32)],
    mesh=plsc.VectorSubcoreMesh(core_axis_name="c", subcore_axis_name="s"),
    scratch_types=[
        pltpu.VMEM((CHUNKS, K), jnp.int32),
        pltpu.VMEM((CHUNKS, K), jnp.int32),
        pltpu.VMEM((NB, K, H), jnp.float32),
        pltpu.VMEM_SHARED((NP, H), jnp.float32),
        pltpu.SemaphoreType.DMA,
        pltpu.SemaphoreType.DMA,
    ],
    compiler_params=pltpu.CompilerParams(use_tc_tiling_on_sc=False),
)


def kernel(x, edge_index, W, b):
    row = edge_index[0].astype(jnp.int32)
    col = edge_index[1].astype(jnp.int32)
    e = row.shape[0]
    pad = EP - e
    fill = jnp.arange(pad, dtype=jnp.int32)
    row_p = jnp.concatenate([row, fill % N]).reshape(NS, CHUNKS, K)
    col_p = jnp.concatenate([col, N + fill % (NP - N)]).reshape(NS, CHUNKS, K)
    x_p = jnp.pad(x, ((0, NP - N), (0, 0)))
    i_lo, i_hi, s_lo, s_hi = _mm(x_p, W.T, b.reshape(1, D))
    o_lo, o_hi = _prop(row_p, col_p, i_lo, i_hi, s_lo, s_hi)
    return jnp.concatenate([o_lo[:N], o_hi[:N]], axis=1)

# --- scband reference (transcript-rebuilt; emitter-appended) ---
"""Pipeline reference for scband-appnpconv-2997887172727 (READ-ONLY COPY).

The authoritative reference and input builder live on the scoring server;
editing this copy changes nothing except your own understanding.
"""

import jax, jax.numpy as jnp
import numpy as np

N = 10000
E = 320000
D_IN = 128
D_OUT = 128
STEPS = 10
ALPHA = 0.1


def setup_inputs(seed: int = 0) -> dict:
    key = jax.random.key(seed)
    k1, k2, k3, k4 = jax.random.split(key, 4)
    x = jax.random.normal(k1, (N, D_IN), dtype=jnp.float32)
    edge_index = jax.random.randint(k2, (2, E), 0, N, dtype=jnp.int64)
    # Linear layer params (torch nn.Linear: y = x @ W.T + b); store W as [D_OUT, D_IN]
    bound = 1.0 / np.sqrt(D_IN)
    W = jax.random.uniform(k3, (D_OUT, D_IN), minval=-bound, maxval=bound, dtype=jnp.float32)
    b = jax.random.uniform(k4, (D_OUT,), minval=-bound, maxval=bound, dtype=jnp.float32)
    return {"x": x, "edge_index": edge_index, "W": W, "b": b}


def reference(x, edge_index, W, b):
    row = edge_index[0]
    col = edge_index[1]
    initial = x @ W.T + b
    out = initial
    for _ in range(STEPS):
        gathered = jnp.take(out, row, axis=0)
        propagated = jnp.zeros_like(out).at[col].add(gathered)
        out = (1.0 - ALPHA) * propagated + ALPHA * initial
    return out

if __name__ == "__main__":
    import jax
    _d = setup_inputs()
    print(jax.jit(kernel)(*tuple(_d.values())))

</pallas_src>

<mosaic_0001>
#map = affine_map<(d0, d1) -> (0, 0, 0)>
#map1 = affine_map<(d0, d1) -> (0, 0)>
module attributes {stable_mosaic.version = 14 : i64} {
  func.func @_sc_body(%arg0: i32, %arg1: i32, %arg2: memref<16x160x128xi32, #tpu.memory_space<hbm>>, %arg3: memref<16x160x128xi32, #tpu.memory_space<hbm>>, %arg4: memref<10240x64xf32, #tpu.memory_space<hbm>>, %arg5: memref<10240x64xf32, #tpu.memory_space<hbm>>, %arg6: memref<10240x64xf32, #tpu.memory_space<hbm>>, %arg7: memref<10240x64xf32, #tpu.memory_space<hbm>>, %arg8: memref<10240x64xf32, #tpu.memory_space<hbm>>, %arg9: memref<10240x64xf32, #tpu.memory_space<hbm>>, %arg10: memref<160x128xi32, #tpu.memory_space<vmem>>, %arg11: memref<160x128xi32, #tpu.memory_space<vmem>>, %arg12: memref<4x128x64xf32, #tpu.memory_space<vmem>>, %arg13: memref<10240x64xf32, #tpu.memory_space<vmem_shared>>, %arg14: memref<!tpu.dma_semaphore, #tpu.memory_space<semaphore_mem>>, %arg15: memref<!tpu.dma_semaphore, #tpu.memory_space<semaphore_mem>>) attributes {dimension_semantics = [#tpu.dimension_semantics<core_parallel>, #tpu.dimension_semantics<subcore_parallel>], iteration_bounds = array<i64: 2, 16>, scalar_prefetch = 0 : i64, scratch_operands = 6 : i64, tpu.core_type = #tpu.core_type<sc_vector_subcore>, window_params = [{transform_indices = #map}, {transform_indices = #map}, {transform_indices = #map1}, {transform_indices = #map1}, {transform_indices = #map1}, {transform_indices = #map1}, {transform_indices = #map1}, {transform_indices = #map1}]} {
    "tpu.region"() ({
      %run_scoped3A = tpu.sem_alloc : memref<!tpu.dma_semaphore, #tpu.memory_space<semaphore_mem>>
      %dma_start3A = arith.constant 0 : i32
      %dma_start3A_7 = arith.constant 0 : i32
      %dma_start3A_8 = tpu.memref_slice %arg2[%arg1, %dma_start3A, %dma_start3A_7] : memref<16x160x128xi32, #tpu.memory_space<hbm>> -> memref<1x160x128xi32, #tpu.memory_space<hbm>>
      %dma_start3A_9 = tpu.memref_squeeze %dma_start3A_8 : memref<1x160x128xi32, #tpu.memory_space<hbm>> -> memref<160x128xi32, #tpu.memory_space<hbm>>
      %dma_start3A_10 = arith.constant 0 : i32
      %dma_start3A_11 = arith.constant 0 : i32
      %dma_start3A_12 = tpu.memref_slice %arg2[%arg1, %dma_start3A_10, %dma_start3A_11] : memref<16x160x128xi32, #tpu.memory_space<hbm>> -> memref<1x160x128xi32, #tpu.memory_space<hbm>>
      %dma_start3A_13 = tpu.memref_squeeze %dma_start3A_12 : memref<1x160x128xi32, #tpu.memory_space<hbm>> -> memref<160x128xi32, #tpu.memory_space<hbm>>
      tpu.enqueue_dma source(%dma_start3A_13 : memref<160x128xi32, #tpu.memory_space<hbm>>) target(%arg10 : memref<160x128xi32, #tpu.memory_space<vmem>>) target_semaphore(%run_scoped3A : memref<!tpu.dma_semaphore, #tpu.memory_space<semaphore_mem>>)
      %dma_wait3A = arith.constant 0 : i32
      %dma_wait3A_14 = arith.constant 0 : i32
      %dma_wait3A_15 = tpu.memref_slice %arg2[%arg1, %dma_wait3A, %dma_wait3A_14] : memref<16x160x128xi32, #tpu.memory_space<hbm>> -> memref<1x160x128xi32, #tpu.memory_space<hbm>>
      %dma_wait3A_16 = tpu.memref_squeeze %dma_wait3A_15 : memref<1x160x128xi32, #tpu.memory_space<hbm>> -> memref<160x128xi32, #tpu.memory_space<hbm>>
      %dma_wait3A_17 = arith.constant 0 : i32
      %dma_wait3A_18 = arith.constant 0 : i32
      %dma_wait3A_19 = tpu.memref_slice %arg2[%arg1, %dma_wait3A_17, %dma_wait3A_18] : memref<16x160x128xi32, #tpu.memory_space<hbm>> -> memref<1x160x128xi32, #tpu.memory_space<hbm>>
      %dma_wait3A_20 = tpu.memref_squeeze %dma_wait3A_19 : memref<1x160x128xi32, #tpu.memory_space<hbm>> -> memref<160x128xi32, #tpu.memory_space<hbm>>
      tpu.wait_dma2 semaphore(%run_scoped3A : memref<!tpu.dma_semaphore, #tpu.memory_space<semaphore_mem>>) src(%dma_wait3A_20 : memref<160x128xi32, #tpu.memory_space<hbm>>) dst(%arg10 : memref<160x128xi32, #tpu.memory_space<vmem>>)
      tpu.yield
    }) : () -> ()
    "tpu.region"() ({
      %run_scoped3A = tpu.sem_alloc : memref<!tpu.dma_semaphore, #tpu.memory_space<semaphore_mem>>
      %dma_start3A = arith.constant 0 : i32
      %dma_start3A_7 = arith.constant 0 : i32
      %dma_start3A_8 = tpu.memref_slice %arg3[%arg1, %dma_start3A, %dma_start3A_7] : memref<16x160x128xi32, #tpu.memory_space<hbm>> -> memref<1x160x128xi32, #tpu.memory_space<hbm>>
      %dma_start3A_9 = tpu.memref_squeeze %dma_start3A_8 : memref<1x160x128xi32, #tpu.memory_space<hbm>> -> memref<160x128xi32, #tpu.memory_space<hbm>>
      %dma_start3A_10 = arith.constant 0 : i32
      %dma_start3A_11 = arith.constant 0 : i32
      %dma_start3A_12 = tpu.memref_slice %arg3[%arg1, %dma_start3A_10, %dma_start3A_11] : memref<16x160x128xi32, #tpu.memory_space<hbm>> -> memref<1x160x128xi32, #tpu.memory_space<hbm>>
      %dma_start3A_13 = tpu.memref_squeeze %dma_start3A_12 : memref<1x160x128xi32, #tpu.memory_space<hbm>> -> memref<160x128xi32, #tpu.memory_space<hbm>>
      tpu.enqueue_dma source(%dma_start3A_13 : memref<160x128xi32, #tpu.memory_space<hbm>>) target(%arg11 : memref<160x128xi32, #tpu.memory_space<vmem>>) target_semaphore(%run_scoped3A : memref<!tpu.dma_semaphore, #tpu.memory_space<semaphore_mem>>)
      %dma_wait3A = arith.constant 0 : i32
      %dma_wait3A_14 = arith.constant 0 : i32
      %dma_wait3A_15 = tpu.memref_slice %arg3[%arg1, %dma_wait3A, %dma_wait3A_14] : memref<16x160x128xi32, #tpu.memory_space<hbm>> -> memref<1x160x128xi32, #tpu.memory_space<hbm>>
      %dma_wait3A_16 = tpu.memref_squeeze %dma_wait3A_15 : memref<1x160x128xi32, #tpu.memory_space<hbm>> -> memref<160x128xi32, #tpu.memory_space<hbm>>
      %dma_wait3A_17 = arith.constant 0 : i32
      %dma_wait3A_18 = arith.constant 0 : i32
      %dma_wait3A_19 = tpu.memref_slice %arg3[%arg1, %dma_wait3A_17, %dma_wait3A_18] : memref<16x160x128xi32, #tpu.memory_space<hbm>> -> memref<1x160x128xi32, #tpu.memory_space<hbm>>
      %dma_wait3A_20 = tpu.memref_squeeze %dma_wait3A_19 : memref<1x160x128xi32, #tpu.memory_space<hbm>> -> memref<160x128xi32, #tpu.memory_space<hbm>>
      tpu.wait_dma2 semaphore(%run_scoped3A : memref<!tpu.dma_semaphore, #tpu.memory_space<semaphore_mem>>) src(%dma_wait3A_20 : memref<160x128xi32, #tpu.memory_space<hbm>>) dst(%arg11 : memref<160x128xi32, #tpu.memory_space<vmem>>)
      tpu.yield
    }) : () -> ()
    %eq3A = arith.constant 0 : i32
    %eq3A_0 = arith.cmpi eq, %arg0, %eq3A : i32
    %convert_element_type3A = arith.extui %eq3A_0 : i1 to i32
    %cond3A = arith.constant 0 : i32
    %cond3A_1 = arith.cmpi ne, %convert_element_type3A, %cond3A : i32
    scf.if %cond3A_1 {
      %mul3A = arith.constant 640 : i32
      %mul3A_7 = arith.muli %arg1, %mul3A : i32
      %scan3A = arith.constant 0 : i32
      %scan3A_8 = arith.constant 0 : i32
      %scan3A_9 = arith.constant 1 : i32
      %scan3A_10 = arith.constant 0 : i32
      %scan3A_11 = arith.constant 5 : i32
      %scan3A_12 = arith.addi %scan3A_10, %scan3A_11 : i32
      %scan3A_13 = arith.constant 1 : i32
      scf.for %scan3A_23 = %scan3A_10 to %scan3A_12 step %scan3A_13  : i32 {
        %mul3A_24 = arith.constant 128 : i32
        %mul3A_25 = arith.muli %scan3A_23, %mul3A_24 : i32
        %add3A = arith.addi %mul3A_7, %mul3A_25 : i32
        "tpu.region"() ({
          %run_scoped3A = tpu.sem_alloc : memref<!tpu.dma_semaphore, #tpu.memory_space<semaphore_mem>>
          %dma_start3A = arith.constant 0 : i32
          %dma_start3A_26 = arith.constant 0 : i32
          %dma_start3A_27 = tpu.memref_slice %arg12[%scan3A_8, %dma_start3A, %dma_start3A_26] : memref<4x128x64xf32, #tpu.memory_space<vmem>> -> memref<1x128x64xf32, #tpu.memory_space<vmem>>
          %dma_start3A_28 = tpu.memref_squeeze %dma_start3A_27 : memref<1x128x64xf32, #tpu.memory_space<vmem>> -> memref<128x64xf32, #tpu.memory_space<vmem>>
          %dma_start3A_29 = arith.constant 0 : i32
          %dma_start3A_30 = tpu.memref_slice %arg4[%add3A, %dma_start3A_29] : memref<10240x64xf32, #tpu.memory_space<hbm>> -> memref<128x64xf32, #tpu.memory_space<hbm>>
          %dma_start3A_31 = arith.constant 0 : i32
          %dma_start3A_32 = arith.constant 0 : i32
          %dma_start3A_33 = tpu.memref_slice %arg12[%scan3A_8, %dma_start3A_31, %dma_start3A_32] : memref<4x128x64xf32, #tpu.memory_space<vmem>> -> memref<1x128x64xf32, #tpu.memory_space<vmem>>
          %dma_start3A_34 = tpu.memref_squeeze %dma_start3A_33 : memref<1x128x64xf32, #tpu.memory_space<vmem>> -> memref<128x64xf32, #tpu.memory_space<vmem>>
          %dma_start3A_35 = arith.constant 0 : i32
          %dma_start3A_36 = tpu.memref_slice %arg4[%add3A, %dma_start3A_35] : memref<10240x64xf32, #tpu.memory_space<hbm>> -> memref<128x64xf32, #tpu.memory_space<hbm>>
          tpu.enqueue_dma source(%dma_start3A_36 : memref<128x64xf32, #tpu.memory_space<hbm>>) target(%dma_start3A_34 : memref<128x64xf32, #tpu.memory_space<vmem>>) target_semaphore(%run_scoped3A : memref<!tpu.dma_semaphore, #tpu.memory_space<semaphore_mem>>)
          %dma_wait3A = arith.constant 0 : i32
          %dma_wait3A_37 = arith.constant 0 : i32
          %dma_wait3A_38 = tpu.memref_slice %arg12[%scan3A_8, %dma_wait3A, %dma_wait3A_37] : memref<4x128x64xf32, #tpu.memory_space<vmem>> -> memref<1x128x64xf32, #tpu.memory_space<vmem>>
          %dma_wait3A_39 = tpu.memref_squeeze %dma_wait3A_38 : memref<1x128x64xf32, #tpu.memory_space<vmem>> -> memref<128x64xf32, #tpu.memory_space<vmem>>
          %dma_wait3A_40 = arith.constant 0 : i32
          %dma_wait3A_41 = tpu.memref_slice %arg4[%add3A, %dma_wait3A_40] : memref<10240x64xf32, #tpu.memory_space<hbm>> -> memref<128x64xf32, #tpu.memory_space<hbm>>
          %dma_wait3A_42 = arith.constant 0 : i32
          %dma_wait3A_43 = arith.constant 0 : i32
          %dma_wait3A_44 = tpu.memref_slice %arg12[%scan3A_8, %dma_wait3A_42, %dma_wait3A_43] : memref<4x128x64xf32, #tpu.memory_space<vmem>> -> memref<1x128x64xf32, #tpu.memory_space<vmem>>
          %dma_wait3A_45 = tpu.memref_squeeze %dma_wait3A_44 : memref<1x128x64xf32, #tpu.memory_space<vmem>> -> memref<128x64xf32, #tpu.memory_space<vmem>>
          %dma_wait3A_46 = arith.constant 0 : i32
          %dma_wait3A_47 = tpu.memref_slice %arg4[%add3A, %dma_wait3A_46] : memref<10240x64xf32, #tpu.memory_space<hbm>> -> memref<128x64xf32, #tpu.memory_space<hbm>>
          tpu.wait_dma2 semaphore(%run_scoped3A : memref<!tpu.dma_semaphore, #tpu.memory_space<semaphore_mem>>) src(%dma_wait3A_47 : memref<128x64xf32, #tpu.memory_space<hbm>>) dst(%dma_wait3A_45 : memref<128x64xf32, #tpu.memory_space<vmem>>)
          tpu.yield
        }) : () -> ()
        "tpu.region"() ({
          %run_scoped3A = tpu.sem_alloc : memref<!tpu.dma_semaphore, #tpu.memory_space<semaphore_mem>>
          %dma_start3A = arith.constant 0 : i32
          %dma_start3A_26 = arith.constant 0 : i32
          %dma_start3A_27 = tpu.memref_slice %arg12[%scan3A_8, %dma_start3A, %dma_start3A_26] : memref<4x128x64xf32, #tpu.memory_space<vmem>> -> memref<1x128x64xf32, #tpu.memory_space<vmem>>
          %dma_start3A_28 = tpu.memref_squeeze %dma_start3A_27 : memref<1x128x64xf32, #tpu.memory_space<vmem>> -> memref<128x64xf32, #tpu.memory_space<vmem>>
          %dma_start3A_29 = arith.constant 0 : i32
          %dma_start3A_30 = tpu.memref_slice %arg8[%add3A, %dma_start3A_29] : memref<10240x64xf32, #tpu.memory_space<hbm>> -> memref<128x64xf32, #tpu.memory_space<hbm>>
          %dma_start3A_31 = arith.constant 0 : i32
          %dma_start3A_32 = tpu.memref_slice %arg8[%add3A, %dma_start3A_31] : memref<10240x64xf32, #tpu.memory_space<hbm>> -> memref<128x64xf32, #tpu.memory_space<hbm>>
          %dma_start3A_33 = arith.constant 0 : i32
          %dma_start3A_34 = arith.constant 0 : i32
          %dma_start3A_35 = tpu.memref_slice %arg12[%scan3A_8, %dma_start3A_33, %dma_start3A_34] : memref<4x128x64xf32, #tpu.memory_space<vmem>> -> memref<1x128x64xf32, #tpu.memory_space<vmem>>
          %dma_start3A_36 = tpu.memref_squeeze %dma_start3A_35 : memref<1x128x64xf32, #tpu.memory_space<vmem>> -> memref<128x64xf32, #tpu.memory_space<vmem>>
          tpu.enqueue_dma source(%dma_start3A_36 : memref<128x64xf32, #tpu.memory_space<vmem>>) target(%dma_start3A_32 : memref<128x64xf32, #tpu.memory_space<hbm>>) target_semaphore(%run_scoped3A : memref<!tpu.dma_semaphore, #tpu.memory_space<semaphore_mem>>)
          %dma_wait3A = arith.constant 0 : i32
          %dma_wait3A_37 = arith.constant 0 : i32
          %dma_wait3A_38 = tpu.memref_slice %arg12[%scan3A_8, %dma_wait3A, %dma_wait3A_37] : memref<4x128x64xf32, #tpu.memory_space<vmem>> -> memref<1x128x64xf32, #tpu.memory_space<vmem>>
          %dma_wait3A_39 = tpu.memref_squeeze %dma_wait3A_38 : memref<1x128x64xf32, #tpu.memory_space<vmem>> -> memref<128x64xf32, #tpu.memory_space<vmem>>
          %dma_wait3A_40 = arith.constant 0 : i32
          %dma_wait3A_41 = tpu.memref_slice %arg8[%add3A, %dma_wait3A_40] : memref<10240x64xf32, #tpu.memory_space<hbm>> -> memref<128x64xf32, #tpu.memory_space<hbm>>
          %dma_wait3A_42 = arith.constant 0 : i32
          %dma_wait3A_43 = tpu.memref_slice %arg8[%add3A, %dma_wait3A_42] : memref<10240x64xf32, #tpu.memory_space<hbm>> -> memref<128x64xf32, #tpu.memory_space<hbm>>
          %dma_wait3A_44 = arith.constant 0 : i32
          %dma_wait3A_45 = arith.constant 0 : i32
          %dma_wait3A_46 = tpu.memref_slice %arg12[%scan3A_8, %dma_wait3A_44, %dma_wait3A_45] : memref<4x128x64xf32, #tpu.memory_space<vmem>> -> memref<1x128x64xf32, #tpu.memory_space<vmem>>
          %dma_wait3A_47 = tpu.memref_squeeze %dma_wait3A_46 : memref<1x128x64xf32, #tpu.memory_space<vmem>> -> memref<128x64xf32, #tpu.memory_space<vmem>>
          tpu.wait_dma2 semaphore(%run_scoped3A : memref<!tpu.dma_semaphore, #tpu.memory_space<semaphore_mem>>) src(%dma_wait3A_47 : memref<128x64xf32, #tpu.memory_space<vmem>>) dst(%dma_wait3A_43 : memref<128x64xf32, #tpu.memory_space<hbm>>)
          tpu.yield
        }) : () -> ()
        "tpu.region"() ({
          %run_scoped3A = tpu.sem_alloc : memref<!tpu.dma_semaphore, #tpu.memory_space<semaphore_mem>>
          %dma_start3A = arith.constant 0 : i32
          %dma_start3A_26 = arith.constant 0 : i32
          %dma_start3A_27 = tpu.memref_slice %arg12[%scan3A_9, %dma_start3A, %dma_start3A_26] : memref<4x128x64xf32, #tpu.memory_space<vmem>> -> memref<1x128x64xf32, #tpu.memory_space<vmem>>
          %dma_start3A_28 = tpu.memref_squeeze %dma_start3A_27 : memref<1x128x64xf32, #tpu.memory_space<vmem>> -> memref<128x64xf32, #tpu.memory_space<vmem>>
          %dma_start3A_29 = arith.constant 0 : i32
          %dma_start3A_30 = tpu.memref_slice %arg6[%add3A, %dma_start3A_29] : memref<10240x64xf32, #tpu.memory_space<hbm>> -> memref<128x64xf32, #tpu.memory_space<hbm>>
          %dma_start3A_31 = arith.constant 0 : i32
          %dma_start3A_32 = arith.constant 0 : i32
          %dma_start3A_33 = tpu.memref_slice %arg12[%scan3A_9, %dma_start3A_31, %dma_start3A_32] : memref<4x128x64xf32, #tpu.memory_space<vmem>> -> memref<1x128x64xf32, #tpu.memory_space<vmem>>
          %dma_start3A_34 = tpu.memref_squeeze %dma_start3A_33 : memref<1x128x64xf32, #tpu.memory_space<vmem>> -> memref<128x64xf32, #tpu.memory_space<vmem>>
          %dma_start3A_35 = arith.constant 0 : i32
          %dma_start3A_36 = tpu.memref_slice %arg6[%add3A, %dma_start3A_35] : memref<10240x64xf32, #tpu.memory_space<hbm>> -> memref<128x64xf32, #tpu.memory_space<hbm>>
          tpu.enqueue_dma source(%dma_start3A_36 : memref<128x64xf32, #tpu.memory_space<hbm>>) target(%dma_start3A_34 : memref<128x64xf32, #tpu.memory_space<vmem>>) target_semaphore(%run_scoped3A : memref<!tpu.dma_semaphore, #tpu.memory_space<semaphore_mem>>)
          %dma_wait3A = arith.constant 0 : i32
          %dma_wait3A_37 = arith.constant 0 : i32
          %dma_wait3A_38 = tpu.memref_slice %arg12[%scan3A_9, %dma_wait3A, %dma_wait3A_37] : memref<4x128x64xf32, #tpu.memory_space<vmem>> -> memref<1x128x64xf32, #tpu.memory_space<vmem>>
          %dma_wait3A_39 = tpu.memref_squeeze %dma_wait3A_38 : memref<1x128x64xf32, #tpu.memory_space<vmem>> -> memref<128x64xf32, #tpu.memory_space<vmem>>
          %dma_wait3A_40 = arith.constant 0 : i32
          %dma_wait3A_41 = tpu.memref_slice %arg6[%add3A, %dma_wait3A_40] : memref<10240x64xf32, #tpu.memory_space<hbm>> -> memref<128x64xf32, #tpu.memory_space<hbm>>
          %dma_wait3A_42 = arith.constant 0 : i32
          %dma_wait3A_43 = arith.constant 0 : i32
          %dma_wait3A_44 = tpu.memref_slice %arg12[%scan3A_9, %dma_wait3A_42, %dma_wait3A_43] : memref<4x128x64xf32, #tpu.memory_space<vmem>> -> memref<1x128x64xf32, #tpu.memory_space<vmem>>
          %dma_wait3A_45 = tpu.memref_squeeze %dma_wait3A_44 : memref<1x128x64xf32, #tpu.memory_space<vmem>> -> memref<128x64xf32, #tpu.memory_space<vmem>>
          %dma_wait3A_46 = arith.constant 0 : i32
          %dma_wait3A_47 = tpu.memref_slice %arg6[%add3A, %dma_wait3A_46] : memref<10240x64xf32, #tpu.memory_space<hbm>> -> memref<128x64xf32, #tpu.memory_space<hbm>>
          tpu.wait_dma2 semaphore(%run_scoped3A : memref<!tpu.dma_semaphore, #tpu.memory_space<semaphore_mem>>) src(%dma_wait3A_47 : memref<128x64xf32, #tpu.memory_space<hbm>>) dst(%dma_wait3A_45 : memref<128x64xf32, #tpu.memory_space<vmem>>)
          tpu.yield
        }) : () -> ()
        "tpu.region"() ({
          %run_scoped3A = tpu.sem_alloc : memref<!tpu.dma_semaphore, #tpu.memory_space<semaphore_mem>>
          %dma_start3A = arith.constant 0 : i32
          %dma_start3A_26 = arith.constant 0 : i32
          %dma_start3A_27 = tpu.memref_slice %arg12[%scan3A_9, %dma_start3A, %dma_start3A_26] : memref<4x128x64xf32, #tpu.memory_space<vmem>> -> memref<1x128x64xf32, #tpu.memory_space<vmem>>
          %dma_start3A_28 = tpu.memref_squeeze %dma_start3A_27 : memref<1x128x64xf32, #tpu.memory_space<vmem>> -> memref<128x64xf32, #tpu.memory_space<vmem>>
          %dma_start3A_29 = arith.constant 0 : i32
          %dma_start3A_30 = tpu.memref_slice %arg13[%add3A, %dma_start3A_29] : memref<10240x64xf32, #tpu.memory_space<vmem_shared>> -> memref<128x64xf32, #tpu.memory_space<vmem_shared>>
          %dma_start3A_31 = arith.constant 0 : i32
          %dma_start3A_32 = tpu.memref_slice %arg13[%add3A, %dma_start3A_31] : memref<10240x64xf32, #tpu.memory_space<vmem_shared>> -> memref<128x64xf32, #tpu.memory_space<vmem_shared>>
          %dma_start3A_33 = arith.constant 0 : i32
          %dma_start3A_34 = arith.constant 0 : i32
          %dma_start3A_35 = tpu.memref_slice %arg12[%scan3A_9, %dma_start3A_33, %dma_start3A_34] : memref<4x128x64xf32, #tpu.memory_space<vmem>> -> memref<1x128x64xf32, #tpu.memory_space<vmem>>
          %dma_start3A_36 = tpu.memref_squeeze %dma_start3A_35 : memref<1x128x64xf32, #tpu.memory_space<vmem>> -> memref<128x64xf32, #tpu.memory_space<vmem>>
          tpu.enqueue_dma source(%dma_start3A_36 : memref<128x64xf32, #tpu.memory_space<vmem>>) target(%dma_start3A_32 : memref<128x64xf32, #tpu.memory_space<vmem_shared>>) target_semaphore(%run_scoped3A : memref<!tpu.dma_semaphore, #tpu.memory_space<semaphore_mem>>)
          %dma_wait3A = arith.constant 0 : i32
          %dma_wait3A_37 = arith.constant 0 : i32
          %dma_wait3A_38 = tpu.memref_slice %arg12[%scan3A_9, %dma_wait3A, %dma_wait3A_37] : memref<4x128x64xf32, #tpu.memory_space<vmem>> -> memref<1x128x64xf32, #tpu.memory_space<vmem>>
          %dma_wait3A_39 = tpu.memref_squeeze %dma_wait3A_38 : memref<1x128x64xf32, #tpu.memory_space<vmem>> -> memref<128x64xf32, #tpu.memory_space<vmem>>
          %dma_wait3A_40 = arith.constant 0 : i32
          %dma_wait3A_41 = tpu.memref_slice %arg13[%add3A, %dma_wait3A_40] : memref<10240x64xf32, #tpu.memory_space<vmem_shared>> -> memref<128x64xf32, #tpu.memory_space<vmem_shared>>
          %dma_wait3A_42 = arith.constant 0 : i32
          %dma_wait3A_43 = tpu.memref_slice %arg13[%add3A, %dma_wait3A_42] : memref<10240x64xf32, #tpu.memory_space<vmem_shared>> -> memref<128x64xf32, #tpu.memory_space<vmem_shared>>
          %dma_wait3A_44 = arith.constant 0 : i32
          %dma_wait3A_45 = arith.constant 0 : i32
          %dma_wait3A_46 = tpu.memref_slice %arg12[%scan3A_9, %dma_wait3A_44, %dma_wait3A_45] : memref<4x128x64xf32, #tpu.memory_space<vmem>> -> memref<1x128x64xf32, #tpu.memory_space<vmem>>
          %dma_wait3A_47 = tpu.memref_squeeze %dma_wait3A_46 : memref<1x128x64xf32, #tpu.memory_space<vmem>> -> memref<128x64xf32, #tpu.memory_space<vmem>>
          tpu.wait_dma2 semaphore(%run_scoped3A : memref<!tpu.dma_semaphore, #tpu.memory_space<semaphore_mem>>) src(%dma_wait3A_47 : memref<128x64xf32, #tpu.memory_space<vmem>>) dst(%dma_wait3A_43 : memref<128x64xf32, #tpu.memory_space<vmem_shared>>)
          tpu.yield
        }) : () -> ()
      }
      %scan3A_14 = arith.constant 5 : i32
      %barrier3A = arith.constant 0 : index
      tpu.barrier barrier_id(%barrier3A)
      %scan3A_15 = arith.constant 0 : i32
      %scan3A_16 = arith.constant 0 : i32
      %scan3A_17 = arith.constant 1 : i32
      %scan3A_18 = arith.constant 0 : i32
      %scan3A_19 = arith.constant 10 : i32
      %scan3A_20 = arith.addi %scan3A_18, %scan3A_19 : i32
      %scan3A_21 = arith.constant 1 : i32
      scf.for %scan3A_23 = %scan3A_18 to %scan3A_20 step %scan3A_21  : i32 {
        %dma_start3A = arith.constant 0 : i32
        %dma_start3A_24 = arith.constant 0 : i32
        "tpu.trace_start"() <{level = 10 : i32, message = "phaseA"}> : () -> ()
        %dma_start3A_25 = arith.constant 0 : i32
        %dma_start3A_26 = arith.constant 0 : i32
        %dma_start3A_27 = tpu.memref_slice %arg12[%dma_start3A_24, %dma_start3A_25, %dma_start3A_26] : memref<4x128x64xf32, #tpu.memory_space<vmem>> -> memref<1x128x64xf32, #tpu.memory_space<vmem>>
        %dma_start3A_28 = tpu.memref_squeeze %dma_start3A_27 : memref<1x128x64xf32, #tpu.memory_space<vmem>> -> memref<128x64xf32, #tpu.memory_space<vmem>>
        %dma_start3A_29 = arith.constant 0 : i32
        %dma_start3A_30 = tpu.memref_slice %arg10[%dma_start3A, %dma_start3A_29] : memref<160x128xi32, #tpu.memory_space<vmem>> -> memref<1x128xi32, #tpu.memory_space<vmem>>
        %dma_start3A_31 = tpu.memref_squeeze %dma_start3A_30 : memref<1x128xi32, #tpu.memory_space<vmem>> -> memref<128xi32, #tpu.memory_space<vmem>>
        %dma_start3A_32 = arith.constant 0 : i32
        %dma_start3A_33 = arith.constant 0 : i32
        %dma_start3A_34 = tpu.memref_slice %arg8[%dma_start3A_32, %dma_start3A_33] : memref<10240x64xf32, #tpu.memory_space<hbm>> -> memref<10240x64xf32, #tpu.memory_space<hbm>>
        tpu.enqueue_indirect_dma source(%dma_start3A_34 : memref<10240x64xf32, #tpu.memory_space<hbm>>) target(%dma_start3A_28 : memref<128x64xf32, #tpu.memory_space<vmem>>) offsets(%dma_start3A_31 : memref<128xi32, #tpu.memory_space<vmem>>) semaphore(%arg14 : memref<!tpu.dma_semaphore, #tpu.memory_space<semaphore_mem>>)
        %dma_start3A_35 = arith.constant 1 : i32
        %dma_start3A_36 = arith.constant 1 : i32
        %dma_start3A_37 = arith.constant 0 : i32
        %dma_start3A_38 = arith.constant 0 : i32
        %dma_start3A_39 = tpu.memref_slice %arg12[%dma_start3A_36, %dma_start3A_37, %dma_start3A_38] : memref<4x128x64xf32, #tpu.memory_space<vmem>> -> memref<1x128x64xf32, #tpu.memory_space<vmem>>
        %dma_start3A_40 = tpu.memref_squeeze %dma_start3A_39 : memref<1x128x64xf32, #tpu.memory_space<vmem>> -> memref<128x64xf32, #tpu.memory_space<vmem>>
        %dma_start3A_41 = arith.constant 0 : i32
        %dma_start3A_42 = tpu.memref_slice %arg10[%dma_start3A_35, %dma_start3A_41] : memref<160x128xi32, #tpu.memory_space<vmem>> -> memref<1x128xi32, #tpu.memory_space<vmem>>
        %dma_start3A_43 = tpu.memref_squeeze %dma_start3A_42 : memref<1x128xi32, #tpu.memory_space<vmem>> -> memref<128xi32, #tpu.memory_space<vmem>>
        %dma_start3A_44 = arith.constant 0 : i32
        %dma_start3A_45 = arith.constant 0 : i32
        %dma_start3A_46 = tpu.memref_slice %arg8[%dma_start3A_44, %dma_start3A_45] : memref<10240x64xf32, #tpu.memory_space<hbm>> -> memref<10240x64xf32, #tpu.memory_space<hbm>>
        tpu.enqueue_indirect_dma source(%dma_start3A_46 : memref<10240x64xf32, #tpu.memory_space<hbm>>) target(%dma_start3A_40 : memref<128x64xf32, #tpu.memory_space<vmem>>) offsets(%dma_start3A_43 : memref<128xi32, #tpu.memory_space<vmem>>) semaphore(%arg14 : memref<!tpu.dma_semaphore, #tpu.memory_space<semaphore_mem>>)
        %scan3A_47 = arith.constant 0 : i32
        %scan3A_48 = arith.constant 0 : i32
        %rem3A = arith.constant 2 : i32
        %rem3A_49 = arith.remsi %scan3A_48, %rem3A : i32
        %mul3A_50 = arith.constant 2 : i32
        %mul3A_51 = arith.muli %rem3A_49, %mul3A_50 : i32
        %add3A = arith.constant 1 : i32
        %add3A_52 = arith.addi %scan3A_48, %add3A : i32
        %rem3A_53 = arith.constant 2 : i32
        %rem3A_54 = arith.remsi %add3A_52, %rem3A_53 : i32
        %mul3A_55 = arith.constant 2 : i32
        %mul3A_56 = arith.muli %rem3A_54, %mul3A_55 : i32
        %dma_wait3A = arith.constant 2 : i32
        %dma_wait3A_57 = arith.constant 0 : i32
        %dma_wait3A_58 = arith.constant 0 : i32
        %dma_wait3A_59 = tpu.memref_slice %arg12[%dma_wait3A, %dma_wait3A_57, %dma_wait3A_58] : memref<4x128x64xf32, #tpu.memory_space<vmem>> -> memref<1x128x64xf32, #tpu.memory_space<vmem>>
        %dma_wait3A_60 = tpu.memref_squeeze %dma_wait3A_59 : memref<1x128x64xf32, #tpu.memory_space<vmem>> -> memref<128x64xf32, #tpu.memory_space<vmem>>
        %dma_wait3A_61 = arith.constant 0 : i32
        %dma_wait3A_62 = arith.constant 0 : i32
        %dma_wait3A_63 = tpu.memref_slice %arg8[%dma_wait3A_61, %dma_wait3A_62] : memref<10240x64xf32, #tpu.memory_space<hbm>> -> memref<128x64xf32, #tpu.memory_space<hbm>>
        %dma_wait3A_64 = arith.constant 0 : i32
        %dma_wait3A_65 = arith.constant 0 : i32
        %dma_wait3A_66 = tpu.memref_slice %arg12[%dma_wait3A, %dma_wait3A_64, %dma_wait3A_65] : memref<4x128x64xf32, #tpu.memory_space<vmem>> -> memref<1x128x64xf32, #tpu.memory_space<vmem>>
        %dma_wait3A_67 = tpu.memref_squeeze %dma_wait3A_66 : memref<1x128x64xf32, #tpu.memory_space<vmem>> -> memref<128x64xf32, #tpu.memory_space<vmem>>
        %dma_wait3A_68 = arith.constant 0 : i32
        %dma_wait3A_69 = arith.constant 0 : i32
        %dma_wait3A_70 = tpu.memref_slice %arg8[%dma_wait3A_68, %dma_wait3A_69] : memref<10240x64xf32, #tpu.memory_space<hbm>> -> memref<128x64xf32, #tpu.memory_space<hbm>>
        tpu.wait_dma2 semaphore(%arg14 : memref<!tpu.dma_semaphore, #tpu.memory_space<semaphore_mem>>) src(%dma_wait3A_70 : memref<128x64xf32, #tpu.memory_space<hbm>>) dst(%dma_wait3A_67 : memref<128x64xf32, #tpu.memory_space<vmem>>)
        %dma_wait3A_71 = arith.constant 2 : i32
        %dma_wait3A_72 = arith.constant 0 : i32
        %dma_wait3A_73 = arith.constant 0 : i32
        %dma_wait3A_74 = tpu.memref_slice %arg12[%dma_wait3A_71, %dma_wait3A_72, %dma_wait3A_73] : memref<4x128x64xf32, #tpu.memory_space<vmem>> -> memref<1x128x64xf32, #tpu.memory_space<vmem>>
        %dma_wait3A_75 = tpu.memref_squeeze %dma_wait3A_74 : memref<1x128x64xf32, #tpu.memory_space<vmem>> -> memref<128x64xf32, #tpu.memory_space<vmem>>
        %dma_wait3A_76 = arith.constant 0 : i32
        %dma_wait3A_77 = arith.constant 0 : i32
        %dma_wait3A_78 = tpu.memref_slice %arg8[%dma_wait3A_76, %dma_wait3A_77] : memref<10240x64xf32, #tpu.memory_space<hbm>> -> memref<128x64xf32, #tpu.memory_space<hbm>>
        %dma_wait3A_79 = arith.constant 0 : i32
        %dma_wait3A_80 = arith.constant 0 : i32
        %dma_wait3A_81 = tpu.memref_slice %arg12[%dma_wait3A_71, %dma_wait3A_79, %dma_wait3A_80] : memref<4x128x64xf32, #tpu.memory_space<vmem>> -> memref<1x128x64xf32, #tpu.memory_space<vmem>>
        %dma_wait3A_82 = tpu.memref_squeeze %dma_wait3A_81 : memref<1x128x64xf32, #tpu.memory_space<vmem>> -> memref<128x64xf32, #tpu.memory_space<vmem>>
        %dma_wait3A_83 = arith.constant 0 : i32
        %dma_wait3A_84 = arith.constant 0 : i32
        %dma_wait3A_85 = tpu.memref_slice %arg8[%dma_wait3A_83, %dma_wait3A_84] : memref<10240x64xf32, #tpu.memory_space<hbm>> -> memref<128x64xf32, #tpu.memory_space<hbm>>
        tpu.wait_dma2 semaphore(%arg14 : memref<!tpu.dma_semaphore, #tpu.memory_space<semaphore_mem>>) src(%dma_wait3A_85 : memref<128x64xf32, #tpu.memory_space<hbm>>) dst(%dma_wait3A_82 : memref<128x64xf32, #tpu.memory_space<vmem>>)
        %ge3A = arith.constant 1 : i32
        %ge3A_86 = arith.cmpi sge, %scan3A_48, %ge3A : i32
        %convert_element_type3A_87 = arith.extui %ge3A_86 : i1 to i32
        %cond3A_88 = arith.constant 0 : i32
        %cond3A_89 = arith.cmpi ne, %convert_element_type3A_87, %cond3A_88 : i32
        scf.if %cond3A_89 {
          %dma_wait3A_209 = arith.constant 2 : i32
          %dma_wait3A_210 = arith.constant 0 : i32
          %dma_wait3A_211 = arith.constant 0 : i32
          %dma_wait3A_212 = tpu.memref_slice %arg12[%dma_wait3A_209, %dma_wait3A_210, %dma_wait3A_211] : memref<4x128x64xf32, #tpu.memory_space<vmem>> -> memref<1x128x64xf32, #tpu.memory_space<vmem>>
          %dma_wait3A_213 = tpu.memref_squeeze %dma_wait3A_212 : memref<1x128x64xf32, #tpu.memory_space<vmem>> -> memref<128x64xf32, #tpu.memory_space<vmem>>
          %dma_wait3A_214 = arith.constant 0 : i32
          %dma_wait3A_215 = arith.constant 0 : i32
          %dma_wait3A_216 = tpu.memref_slice %arg8[%dma_wait3A_214, %dma_wait3A_215] : memref<10240x64xf32, #tpu.memory_space<hbm>> -> memref<128x64xf32, #tpu.memory_space<hbm>>
          %dma_wait3A_217 = arith.constant 0 : i32
          %dma_wait3A_218 = arith.constant 0 : i32
          %dma_wait3A_219 = tpu.memref_slice %arg12[%dma_wait3A_209, %dma_wait3A_217, %dma_wait3A_218] : memref<4x128x64xf32, #tpu.memory_space<vmem>> -> memref<1x128x64xf32, #tpu.memory_space<vmem>>
          %dma_wait3A_220 = tpu.memref_squeeze %dma_wait3A_219 : memref<1x128x64xf32, #tpu.memory_space<vmem>> -> memref<128x64xf32, #tpu.memory_space<vmem>>
          %dma_wait3A_221 = arith.constant 0 : i32
          %dma_wait3A_222 = arith.constant 0 : i32
          %dma_wait3A_223 = tpu.memref_slice %arg8[%dma_wait3A_221, %dma_wait3A_222] : memref<10240x64xf32, #tpu.memory_space<hbm>> -> memref<128x64xf32, #tpu.memory_space<hbm>>
          tpu.wait_dma2 semaphore(%arg15 : memref<!tpu.dma_semaphore, #tpu.memory_space<semaphore_mem>>) src(%dma_wait3A_223 : memref<128x64xf32, #tpu.memory_space<hbm>>) dst(%dma_wait3A_220 : memref<128x64xf32, #tpu.memory_space<vmem>>)
          %dma_wait3A_224 = arith.constant 2 : i32
          %dma_wait3A_225 = arith.constant 0 : i32
          %dma_wait3A_226 = arith.constant 0 : i32
          %dma_wait3A_227 = tpu.memref_slice %arg12[%dma_wait3A_224, %dma_wait3A_225, %dma_wait3A_226] : memref<4x128x64xf32, #tpu.memory_space<vmem>> -> memref<1x128x64xf32, #tpu.memory_space<vmem>>
          %dma_wait3A_228 = tpu.memref_squeeze %dma_wait3A_227 : memref<1x128x64xf32, #tpu.memory_space<vmem>> -> memref<128x64xf32, #tpu.memory_space<vmem>>
          %dma_wait3A_229 = arith.constant 0 : i32
          %dma_wait3A_230 = arith.constant 0 : i32
          %dma_wait3A_231 = tpu.memref_slice %arg8[%dma_wait3A_229, %dma_wait3A_230] : memref<10240x64xf32, #tpu.memory_space<hbm>> -> memref<128x64xf32, #tpu.memory_space<hbm>>
          %dma_wait3A_232 = arith.constant 0 : i32
          %dma_wait3A_233 = arith.constant 0 : i32
          %dma_wait3A_234 = tpu.memref_slice %arg12[%dma_wait3A_224, %dma_wait3A_232, %dma_wait3A_233] : memref<4x128x64xf32, #tpu.memory_space<vmem>> -> memref<1x128x64xf32, #tpu.memory_space<vmem>>
          %dma_wait3A_235 = tpu.memref_squeeze %dma_wait3A_234 : memref<1x128x64xf32, #tpu.memory_space<vmem>> -> memref<128x64xf32, #tpu.memory_space<vmem>>
          %dma_wait3A_236 = arith.constant 0 : i32
          %dma_wait3A_237 = arith.constant 0 : i32
          %dma_wait3A_238 = tpu.memref_slice %arg8[%dma_wait3A_236, %dma_wait3A_237] : memref<10240x64xf32, #tpu.memory_space<hbm>> -> memref<128x64xf32, #tpu.memory_space<hbm>>
          tpu.wait_dma2 semaphore(%arg15 : memref<!tpu.dma_semaphore, #tpu.memory_space<semaphore_mem>>) src(%dma_wait3A_238 : memref<128x64xf32, #tpu.memory_space<hbm>>) dst(%dma_wait3A_235 : memref<128x64xf32, #tpu.memory_space<vmem>>)
        } else {
        }
        %add3A_90 = arith.constant 1 : i32
        %add3A_91 = arith.addi %scan3A_48, %add3A_90 : i32
        %lt3A = arith.constant 80 : i32
        %lt3A_92 = arith.cmpi slt, %add3A_91, %lt3A : i32
        %convert_element_type3A_93 = arith.extui %lt3A_92 : i1 to i32
        %cond3A_94 = arith.constant 0 : i32
        %cond3A_95 = arith.cmpi ne, %convert_element_type3A_93, %cond3A_94 : i32
        scf.if %cond3A_95 {
          %add3A_209 = arith.constant 1 : i32
          %add3A_210 = arith.addi %scan3A_48, %add3A_209 : i32
          %mul3A_211 = arith.constant 2 : i32
          %mul3A_212 = arith.muli %add3A_210, %mul3A_211 : i32
          %add3A_213 = arith.constant 0 : i32
          %add3A_214 = arith.addi %mul3A_212, %add3A_213 : i32
          %rem3A_215 = arith.constant 80 : i32
          %rem3A_216 = arith.remsi %add3A_214, %rem3A_215 : i32
          %mul3A_217 = arith.constant 128 : i32
          %mul3A_218 = arith.muli %rem3A_216, %mul3A_217 : i32
          %add3A_219 = arith.constant 0 : i32
          %add3A_220 = arith.addi %mul3A_56, %add3A_219 : i32
          %dma_start3A_221 = arith.constant 0 : i32
          %dma_start3A_222 = arith.constant 0 : i32
          %dma_start3A_223 = tpu.memref_slice %arg12[%add3A_220, %dma_start3A_221, %dma_start3A_222] : memref<4x128x64xf32, #tpu.memory_space<vmem>> -> memref<1x128x64xf32, #tpu.memory_space<vmem>>
          %dma_start3A_224 = tpu.memref_squeeze %dma_start3A_223 : memref<1x128x64xf32, #tpu.memory_space<vmem>> -> memref<128x64xf32, #tpu.memory_space<vmem>>
          %dma_start3A_225 = arith.constant 0 : i32
          %dma_start3A_226 = tpu.memref_slice %arg8[%mul3A_218, %dma_start3A_225] : memref<10240x64xf32, #tpu.memory_space<hbm>> -> memref<128x64xf32, #tpu.memory_space<hbm>>
          %dma_start3A_227 = arith.constant 0 : i32
          %dma_start3A_228 = arith.constant 0 : i32
          %dma_start3A_229 = tpu.memref_slice %arg12[%add3A_220, %dma_start3A_227, %dma_start3A_228] : memref<4x128x64xf32, #tpu.memory_space<vmem>> -> memref<1x128x64xf32, #tpu.memory_space<vmem>>
          %dma_start3A_230 = tpu.memref_squeeze %dma_start3A_229 : memref<1x128x64xf32, #tpu.memory_space<vmem>> -> memref<128x64xf32, #tpu.memory_space<vmem>>
          %dma_start3A_231 = arith.constant 0 : i32
          %dma_start3A_232 = tpu.memref_slice %arg8[%mul3A_218, %dma_start3A_231] : memref<10240x64xf32, #tpu.memory_space<hbm>> -> memref<128x64xf32, #tpu.memory_space<hbm>>
          tpu.enqueue_dma source(%dma_start3A_232 : memref<128x64xf32, #tpu.memory_space<hbm>>) target(%dma_start3A_230 : memref<128x64xf32, #tpu.memory_space<vmem>>) target_semaphore(%arg14 : memref<!tpu.dma_semaphore, #tpu.memory_space<semaphore_mem>>)
          %add3A_233 = arith.constant 1 : i32
          %add3A_234 = arith.addi %scan3A_48, %add3A_233 : i32
          %mul3A_235 = arith.constant 2 : i32
          %mul3A_236 = arith.muli %add3A_234, %mul3A_235 : i32
          %add3A_237 = arith.constant 1 : i32
          %add3A_238 = arith.addi %mul3A_236, %add3A_237 : i32
          %rem3A_239 = arith.constant 80 : i32
          %rem3A_240 = arith.remsi %add3A_238, %rem3A_239 : i32
          %mul3A_241 = arith.constant 128 : i32
          %mul3A_242 = arith.muli %rem3A_240, %mul3A_241 : i32
          %add3A_243 = arith.constant 1 : i32
          %add3A_244 = arith.addi %mul3A_56, %add3A_243 : i32
          %dma_start3A_245 = arith.constant 0 : i32
          %dma_start3A_246 = arith.constant 0 : i32
          %dma_start3A_247 = tpu.memref_slice %arg12[%add3A_244, %dma_start3A_245, %dma_start3A_246] : memref<4x128x64xf32, #tpu.memory_space<vmem>> -> memref<1x128x64xf32, #tpu.memory_space<vmem>>
          %dma_start3A_248 = tpu.memref_squeeze %dma_start3A_247 : memref<1x128x64xf32, #tpu.memory_space<vmem>> -> memref<128x64xf32, #tpu.memory_space<vmem>>
          %dma_start3A_249 = arith.constant 0 : i32
          %dma_start3A_250 = tpu.memref_slice %arg8[%mul3A_242, %dma_start3A_249] : memref<10240x64xf32, #tpu.memory_space<hbm>> -> memref<128x64xf32, #tpu.memory_space<hbm>>
          %dma_start3A_251 = arith.constant 0 : i32
          %dma_start3A_252 = arith.constant 0 : i32
          %dma_start3A_253 = tpu.memref_slice %arg12[%add3A_244, %dma_start3A_251, %dma_start3A_252] : memref<4x128x64xf32, #tpu.memory_space<vmem>> -> memref<1x128x64xf32, #tpu.memory_space<vmem>>
          %dma_start3A_254 = tpu.memref_squeeze %dma_start3A_253 : memref<1x128x64xf32, #tpu.memory_space<vmem>> -> memref<128x64xf32, #tpu.memory_space<vmem>>
          %dma_start3A_255 = arith.constant 0 : i32
          %dma_start3A_256 = tpu.memref_slice %arg8[%mul3A_242, %dma_start3A_255] : memref<10240x64xf32, #tpu.memory_space<hbm>> -> memref<128x64xf32, #tpu.memory_space<hbm>>
          tpu.enqueue_dma source(%dma_start3A_256 : memref<128x64xf32, #tpu.memory_space<hbm>>) target(%dma_start3A_254 : memref<128x64xf32, #tpu.memory_space<vmem>>) target_semaphore(%arg14 : memref<!tpu.dma_semaphore, #tpu.memory_space<semaphore_mem>>)
        } else {
        }
        %mul3A_96 = arith.constant 2 : i32
        %mul3A_97 = arith.muli %scan3A_48, %mul3A_96 : i32
        %add3A_98 = arith.constant 0 : i32
        %add3A_99 = arith.addi %mul3A_97, %add3A_98 : i32
        %add3A_100 = arith.constant 0 : i32
        %add3A_101 = arith.addi %mul3A_51, %add3A_100 : i32
        %rem3A_102 = arith.constant 80 : i32
        %rem3A_103 = arith.remsi %add3A_99, %rem3A_102 : i32
        %mul3A_104 = arith.constant 128 : i32
        %mul3A_105 = arith.muli %rem3A_103, %mul3A_104 : i32
        %dma_start3A_106 = arith.constant 0 : i32
        %dma_start3A_107 = arith.constant 0 : i32
        %dma_start3A_108 = tpu.memref_slice %arg12[%add3A_101, %dma_start3A_106, %dma_start3A_107] : memref<4x128x64xf32, #tpu.memory_space<vmem>> -> memref<1x128x64xf32, #tpu.memory_space<vmem>>
        %dma_start3A_109 = tpu.memref_squeeze %dma_start3A_108 : memref<1x128x64xf32, #tpu.memory_space<vmem>> -> memref<128x64xf32, #tpu.memory_space<vmem>>
        %dma_start3A_110 = arith.constant 0 : i32
        %dma_start3A_111 = tpu.memref_slice %arg13[%mul3A_105, %dma_start3A_110] : memref<10240x64xf32, #tpu.memory_space<vmem_shared>> -> memref<128x64xf32, #tpu.memory_space<vmem_shared>>
        %dma_start3A_112 = arith.constant 0 : i32
        %dma_start3A_113 = tpu.memref_slice %arg13[%mul3A_105, %dma_start3A_112] : memref<10240x64xf32, #tpu.memory_space<vmem_shared>> -> memref<128x64xf32, #tpu.memory_space<vmem_shared>>
        %dma_start3A_114 = arith.constant 0 : i32
        %dma_start3A_115 = arith.constant 0 : i32
        %dma_start3A_116 = tpu.memref_slice %arg12[%add3A_101, %dma_start3A_114, %dma_start3A_115] : memref<4x128x64xf32, #tpu.memory_space<vmem>> -> memref<1x128x64xf32, #tpu.memory_space<vmem>>
        %dma_start3A_117 = tpu.memref_squeeze %dma_start3A_116 : memref<1x128x64xf32, #tpu.memory_space<vmem>> -> memref<128x64xf32, #tpu.memory_space<vmem>>
        tpu.enqueue_dma source(%dma_start3A_117 : memref<128x64xf32, #tpu.memory_space<vmem>>) target(%dma_start3A_113 : memref<128x64xf32, #tpu.memory_space<vmem_shared>>) target_semaphore(%arg15 : memref<!tpu.dma_semaphore, #tpu.memory_space<semaphore_mem>>)
        %mul3A_118 = arith.constant 2 : i32
        %mul3A_119 = arith.muli %scan3A_48, %mul3A_118 : i32
        %add3A_120 = arith.constant 1 : i32
        %add3A_121 = arith.addi %mul3A_119, %add3A_120 : i32
        %add3A_122 = arith.constant 1 : i32
        %add3A_123 = arith.addi %mul3A_51, %add3A_122 : i32
        %rem3A_124 = arith.constant 80 : i32
        %rem3A_125 = arith.remsi %add3A_121, %rem3A_124 : i32
        %mul3A_126 = arith.constant 128 : i32
        %mul3A_127 = arith.muli %rem3A_125, %mul3A_126 : i32
        %dma_start3A_128 = arith.constant 0 : i32
        %dma_start3A_129 = arith.constant 0 : i32
        %dma_start3A_130 = tpu.memref_slice %arg12[%add3A_123, %dma_start3A_128, %dma_start3A_129] : memref<4x128x64xf32, #tpu.memory_space<vmem>> -> memref<1x128x64xf32, #tpu.memory_space<vmem>>
        %dma_start3A_131 = tpu.memref_squeeze %dma_start3A_130 : memref<1x128x64xf32, #tpu.memory_space<vmem>> -> memref<128x64xf32, #tpu.memory_space<vmem>>
        %dma_start3A_132 = arith.constant 0 : i32
        %dma_start3A_133 = tpu.memref_slice %arg13[%mul3A_127, %dma_start3A_132] : memref<10240x64xf32, #tpu.memory_space<vmem_shared>> -> memref<128x64xf32, #tpu.memory_space<vmem_shared>>
        %dma_start3A_134 = arith.constant 0 : i32
        %dma_start3A_135 = tpu.memref_slice %arg13[%mul3A_127, %dma_start3A_134] : memref<10240x64xf32, #tpu.memory_space<vmem_shared>> -> memref<128x64xf32, #tpu.memory_space<vmem_shared>>
        %dma_start3A_136 = arith.constant 0 : i32
        %dma_start3A_137 = arith.constant 0 : i32
        %dma_start3A_138 = tpu.memref_slice %arg12[%add3A_123, %dma_start3A_136, %dma_start3A_137] : memref<4x128x64xf32, #tpu.memory_space<vmem>> -> memref<1x128x64xf32, #tpu.memory_space<vmem>>
        %dma_start3A_139 = tpu.memref_squeeze %dma_start3A_138 : memref<1x128x64xf32, #tpu.memory_space<vmem>> -> memref<128x64xf32, #tpu.memory_space<vmem>>
        tpu.enqueue_dma source(%dma_start3A_139 : memref<128x64xf32, #tpu.memory_space<vmem>>) target(%dma_start3A_135 : memref<128x64xf32, #tpu.memory_space<vmem_shared>>) target_semaphore(%arg15 : memref<!tpu.dma_semaphore, #tpu.memory_space<semaphore_mem>>)
        %scan3A_140 = arith.constant 1 : i32
        %dma_wait3A_141 = arith.constant 2 : i32
        %dma_wait3A_142 = arith.constant 0 : i32
        %dma_wait3A_143 = arith.constant 0 : i32
        %dma_wait3A_144 = tpu.memref_slice %arg12[%dma_wait3A_141, %dma_wait3A_142, %dma_wait3A_143] : memref<4x128x64xf32, #tpu.memory_space<vmem>> -> memref<1x128x64xf32, #tpu.memory_space<vmem>>
        %dma_wait3A_145 = tpu.memref_squeeze %dma_wait3A_144 : memref<1x128x64xf32, #tpu.memory_space<vmem>> -> memref<128x64xf32, #tpu.memory_space<vmem>>
        %dma_wait3A_146 = arith.constant 0 : i32
        %dma_wait3A_147 = arith.constant 0 : i32
        %dma_wait3A_148 = tpu.memref_slice %arg8[%dma_wait3A_146, %dma_wait3A_147] : memref<10240x64xf32, #tpu.memory_space<hbm>> -> memref<128x64xf32, #tpu.memory_space<hbm>>
        %dma_wait3A_149 = arith.constant 0 : i32
        %dma_wait3A_150 = arith.constant 0 : i32
        %dma_wait3A_151 = tpu.memref_slice %arg12[%dma_wait3A_141, %dma_wait3A_149, %dma_wait3A_150] : memref<4x128x64xf32, #tpu.memory_space<vmem>> -> memref<1x128x64xf32, #tpu.memory_space<vmem>>
        %dma_wait3A_152 = tpu.memref_squeeze %dma_wait3A_151 : memref<1x128x64xf32, #tpu.memory_space<vmem>> -> memref<128x64xf32, #tpu.memory_space<vmem>>
        %dma_wait3A_153 = arith.constant 0 : i32
        %dma_wait3A_154 = arith.constant 0 : i32
        %dma_wait3A_155 = tpu.memref_slice %arg8[%dma_wait3A_153, %dma_wait3A_154] : memref<10240x64xf32, #tpu.memory_space<hbm>> -> memref<128x64xf32, #tpu.memory_space<hbm>>
        tpu.wait_dma2 semaphore(%arg15 : memref<!tpu.dma_semaphore, #tpu.memory_space<semaphore_mem>>) src(%dma_wait3A_155 : memref<128x64xf32, #tpu.memory_space<hbm>>) dst(%dma_wait3A_152 : memref<128x64xf32, #tpu.memory_space<vmem>>)
        %dma_wait3A_156 = arith.constant 2 : i32
        %dma_wait3A_157 = arith.constant 0 : i32
        %dma_wait3A_158 = arith.constant 0 : i32
        %dma_wait3A_159 = tpu.memref_slice %arg12[%dma_wait3A_156, %dma_wait3A_157, %dma_wait3A_158] : memref<4x128x64xf32, #tpu.memory_space<vmem>> -> memref<1x128x64xf32, #tpu.memory_space<vmem>>
        %dma_wait3A_160 = tpu.memref_squeeze %dma_wait3A_159 : memref<1x128x64xf32, #tpu.memory_space<vmem>> -> memref<128x64xf32, #tpu.memory_space<vmem>>
        %dma_wait3A_161 = arith.constant 0 : i32
        %dma_wait3A_162 = arith.constant 0 : i32
        %dma_wait3A_163 = tpu.memref_slice %arg8[%dma_wait3A_161, %dma_wait3A_162] : memref<10240x64xf32, #tpu.memory_space<hbm>> -> memref<128x64xf32, #tpu.memory_space<hbm>>
        %dma_wait3A_164 = arith.constant 0 : i32
        %dma_wait3A_165 = arith.constant 0 : i32
        %dma_wait3A_166 = tpu.memref_slice %arg12[%dma_wait3A_156, %dma_wait3A_164, %dma_wait3A_165] : memref<4x128x64xf32, #tpu.memory_space<vmem>> -> memref<1x128x64xf32, #tpu.memory_space<vmem>>
        %dma_wait3A_167 = tpu.memref_squeeze %dma_wait3A_166 : memref<1x128x64xf32, #tpu.memory_space<vmem>> -> memref<128x64xf32, #tpu.memory_space<vmem>>
        %dma_wait3A_168 = arith.constant 0 : i32
        %dma_wait3A_169 = arith.constant 0 : i32
        %dma_wait3A_170 = tpu.memref_slice %arg8[%dma_wait3A_168, %dma_wait3A_169] : memref<10240x64xf32, #tpu.memory_space<hbm>> -> memref<128x64xf32, #tpu.memory_space<hbm>>
        tpu.wait_dma2 semaphore(%arg15 : memref<!tpu.dma_semaphore, #tpu.memory_space<semaphore_mem>>) src(%dma_wait3A_170 : memref<128x64xf32, #tpu.memory_space<hbm>>) dst(%dma_wait3A_167 : memref<128x64xf32, #tpu.memory_space<vmem>>)
        %dma_wait3A_171 = arith.constant 2 : i32
        %dma_wait3A_172 = arith.constant 0 : i32
        %dma_wait3A_173 = arith.constant 0 : i32
        %dma_wait3A_174 = tpu.memref_slice %arg12[%dma_wait3A_171, %dma_wait3A_172, %dma_wait3A_173] : memref<4x128x64xf32, #tpu.memory_space<vmem>> -> memref<1x128x64xf32, #tpu.memory_space<vmem>>
        %dma_wait3A_175 = tpu.memref_squeeze %dma_wait3A_174 : memref<1x128x64xf32, #tpu.memory_space<vmem>> -> memref<128x64xf32, #tpu.memory_space<vmem>>
        %dma_wait3A_176 = arith.constant 0 : i32
        %dma_wait3A_177 = arith.constant 0 : i32
        %dma_wait3A_178 = tpu.memref_slice %arg8[%dma_wait3A_176, %dma_wait3A_177] : memref<10240x64xf32, #tpu.memory_space<hbm>> -> memref<128x64xf32, #tpu.memory_space<hbm>>
        %dma_wait3A_179 = arith.constant 0 : i32
        %dma_wait3A_180 = arith.constant 0 : i32
        %dma_wait3A_181 = tpu.memref_slice %arg12[%dma_wait3A_171, %dma_wait3A_179, %dma_wait3A_180] : memref<4x128x64xf32, #tpu.memory_space<vmem>> -> memref<1x128x64xf32, #tpu.memory_space<vmem>>
        %dma_wait3A_182 = tpu.memref_squeeze %dma_wait3A_181 : memref<1x128x64xf32, #tpu.memory_space<vmem>> -> memref<128x64xf32, #tpu.memory_space<vmem>>
        %dma_wait3A_183 = arith.constant 0 : i32
        %dma_wait3A_184 = arith.constant 0 : i32
        %dma_wait3A_185 = tpu.memref_slice %arg8[%dma_wait3A_183, %dma_wait3A_184] : memref<10240x64xf32, #tpu.memory_space<hbm>> -> memref<128x64xf32, #tpu.memory_space<hbm>>
        tpu.wait_dma2 semaphore(%arg14 : memref<!tpu.dma_semaphore, #tpu.memory_space<semaphore_mem>>) src(%dma_wait3A_185 : memref<128x64xf32, #tpu.memory_space<hbm>>) dst(%dma_wait3A_182 : memref<128x64xf32, #tpu.memory_space<vmem>>)
        %dma_wait3A_186 = arith.constant 2 : i32
        %dma_wait3A_187 = arith.constant 0 : i32
        %dma_wait3A_188 = arith.constant 0 : i32
        %dma_wait3A_189 = tpu.memref_slice %arg12[%dma_wait3A_186, %dma_wait3A_187, %dma_wait3A_188] : memref<4x128x64xf32, #tpu.memory_space<vmem>> -> memref<1x128x64xf32, #tpu.memory_space<vmem>>
        %dma_wait3A_190 = tpu.memref_squeeze %dma_wait3A_189 : memref<1x128x64xf32, #tpu.memory_space<vmem>> -> memref<128x64xf32, #tpu.memory_space<vmem>>
        %dma_wait3A_191 = arith.constant 0 : i32
        %dma_wait3A_192 = arith.constant 0 : i32
        %dma_wait3A_193 = tpu.memref_slice %arg8[%dma_wait3A_191, %dma_wait3A_192] : memref<10240x64xf32, #tpu.memory_space<hbm>> -> memref<128x64xf32, #tpu.memory_space<hbm>>
        %dma_wait3A_194 = arith.constant 0 : i32
        %dma_wait3A_195 = arith.constant 0 : i32
        %dma_wait3A_196 = tpu.memref_slice %arg12[%dma_wait3A_186, %dma_wait3A_194, %dma_wait3A_195] : memref<4x128x64xf32, #tpu.memory_space<vmem>> -> memref<1x128x64xf32, #tpu.memory_space<vmem>>
        %dma_wait3A_197 = tpu.memref_squeeze %dma_wait3A_196 : memref<1x128x64xf32, #tpu.memory_space<vmem>> -> memref<128x64xf32, #tpu.memory_space<vmem>>
        %dma_wait3A_198 = arith.constant 0 : i32
        %dma_wait3A_199 = arith.constant 0 : i32
        %dma_wait3A_200 = tpu.memref_slice %arg8[%dma_wait3A_198, %dma_wait3A_199] : memref<10240x64xf32, #tpu.memory_space<hbm>> -> memref<128x64xf32, #tpu.memory_space<hbm>>
        tpu.wait_dma2 semaphore(%arg14 : memref<!tpu.dma_semaphore, #tpu.memory_space<semaphore_mem>>) src(%dma_wait3A_200 : memref<128x64xf32, #tpu.memory_space<hbm>>) dst(%dma_wait3A_197 : memref<128x64xf32, #tpu.memory_space<vmem>>)
        %barrier3A_201 = arith.constant 0 : index
        tpu.barrier barrier_id(%barrier3A_201)
        "tpu.trace_stop"() : () -> ()
        "tpu.trace_start"() <{level = 10 : i32, message = "phaseB"}> : () -> ()
        %scan3A_202 = arith.constant 0 : i32
        %scan3A_203 = arith.constant 0 : i32
        %scan3A_204 = arith.constant 5 : i32
        %scan3A_205 = arith.addi %scan3A_203, %scan3A_204 : i32
        %scan3A_206 = arith.constant 1 : i32
        scf.for %scan3A_209 = %scan3A_203 to %scan3A_205 step %scan3A_206  : i32 {
          %mul3A_210 = arith.constant 128 : i32
          %mul3A_211 = arith.muli %scan3A_209, %mul3A_210 : i32
          %add3A_212 = arith.addi %mul3A_7, %mul3A_211 : i32
          "tpu.region"() ({
            %run_scoped3A = tpu.sem_alloc : memref<!tpu.dma_semaphore, #tpu.memory_space<semaphore_mem>>
            %dma_start3A_219 = arith.constant 0 : i32
            %dma_start3A_220 = arith.constant 0 : i32
            %dma_start3A_221 = tpu.memref_slice %arg12[%scan3A_16, %dma_start3A_219, %dma_start3A_220] : memref<4x128x64xf32, #tpu.memory_space<vmem>> -> memref<1x128x64xf32, #tpu.memory_space<vmem>>
            %dma_start3A_222 = tpu.memref_squeeze %dma_start3A_221 : memref<1x128x64xf32, #tpu.memory_space<vmem>> -> memref<128x64xf32, #tpu.memory_space<vmem>>
            %dma_start3A_223 = arith.constant 0 : i32
            %dma_start3A_224 = tpu.memref_slice %arg13[%add3A_212, %dma_start3A_223] : memref<10240x64xf32, #tpu.memory_space<vmem_shared>> -> memref<128x64xf32, #tpu.memory_space<vmem_shared>>
            %dma_start3A_225 = arith.constant 0 : i32
            %dma_start3A_226 = arith.constant 0 : i32
            %dma_start3A_227 = tpu.memref_slice %arg12[%scan3A_16, %dma_start3A_225, %dma_start3A_226] : memref<4x128x64xf32, #tpu.memory_space<vmem>> -> memref<1x128x64xf32, #tpu.memory_space<vmem>>
            %dma_start3A_228 = tpu.memref_squeeze %dma_start3A_227 : memref<1x128x64xf32, #tpu.memory_space<vmem>> -> memref<128x64xf32, #tpu.memory_space<vmem>>
            %dma_start3A_229 = arith.constant 0 : i32
            %dma_start3A_230 = tpu.memref_slice %arg13[%add3A_212, %dma_start3A_229] : memref<10240x64xf32, #tpu.memory_space<vmem_shared>> -> memref<128x64xf32, #tpu.memory_space<vmem_shared>>
            tpu.enqueue_dma source(%dma_start3A_230 : memref<128x64xf32, #tpu.memory_space<vmem_shared>>) target(%dma_start3A_228 : memref<128x64xf32, #tpu.memory_space<vmem>>) target_semaphore(%run_scoped3A : memref<!tpu.dma_semaphore, #tpu.memory_space<semaphore_mem>>)
            %dma_wait3A_231 = arith.constant 0 : i32
            %dma_wait3A_232 = arith.constant 0 : i32
            %dma_wait3A_233 = tpu.memref_slice %arg12[%scan3A_16, %dma_wait3A_231, %dma_wait3A_232] : memref<4x128x64xf32, #tpu.memory_space<vmem>> -> memref<1x128x64xf32, #tpu.memory_space<vmem>>
            %dma_wait3A_234 = tpu.memref_squeeze %dma_wait3A_233 : memref<1x128x64xf32, #tpu.memory_space<vmem>> -> memref<128x64xf32, #tpu.memory_space<vmem>>
            %dma_wait3A_235 = arith.constant 0 : i32
            %dma_wait3A_236 = tpu.memref_slice %arg13[%add3A_212, %dma_wait3A_235] : memref<10240x64xf32, #tpu.memory_space<vmem_shared>> -> memref<128x64xf32, #tpu.memory_space<vmem_shared>>
            %dma_wait3A_237 = arith.constant 0 : i32
            %dma_wait3A_238 = arith.constant 0 : i32
            %dma_wait3A_239 = tpu.memref_slice %arg12[%scan3A_16, %dma_wait3A_237, %dma_wait3A_238] : memref<4x128x64xf32, #tpu.memory_space<vmem>> -> memref<1x128x64xf32, #tpu.memory_space<vmem>>
            %dma_wait3A_240 = tpu.memref_squeeze %dma_wait3A_239 : memref<1x128x64xf32, #tpu.memory_space<vmem>> -> memref<128x64xf32, #tpu.memory_space<vmem>>
            %dma_wait3A_241 = arith.constant 0 : i32
            %dma_wait3A_242 = tpu.memref_slice %arg13[%add3A_212, %dma_wait3A_241] : memref<10240x64xf32, #tpu.memory_space<vmem_shared>> -> memref<128x64xf32, #tpu.memory_space<vmem_shared>>
            tpu.wait_dma2 semaphore(%run_scoped3A : memref<!tpu.dma_semaphore, #tpu.memory_space<semaphore_mem>>) src(%dma_wait3A_242 : memref<128x64xf32, #tpu.memory_space<vmem_shared>>) dst(%dma_wait3A_240 : memref<128x64xf32, #tpu.memory_space<vmem>>)
            tpu.yield
          }) : () -> ()
          "tpu.region"() ({
            %run_scoped3A = tpu.sem_alloc : memref<!tpu.dma_semaphore, #tpu.memory_space<semaphore_mem>>
            %dma_start3A_219 = arith.constant 0 : i32
            %dma_start3A_220 = arith.constant 0 : i32
            %dma_start3A_221 = tpu.memref_slice %arg12[%scan3A_17, %dma_start3A_219, %dma_start3A_220] : memref<4x128x64xf32, #tpu.memory_space<vmem>> -> memref<1x128x64xf32, #tpu.memory_space<vmem>>
            %dma_start3A_222 = tpu.memref_squeeze %dma_start3A_221 : memref<1x128x64xf32, #tpu.memory_space<vmem>> -> memref<128x64xf32, #tpu.memory_space<vmem>>
            %dma_start3A_223 = arith.constant 0 : i32
            %dma_start3A_224 = tpu.memref_slice %arg6[%add3A_212, %dma_start3A_223] : memref<10240x64xf32, #tpu.memory_space<hbm>> -> memref<128x64xf32, #tpu.memory_space<hbm>>
            %dma_start3A_225 = arith.constant 0 : i32
            %dma_start3A_226 = arith.constant 0 : i32
            %dma_start3A_227 = tpu.memref_slice %arg12[%scan3A_17, %dma_start3A_225, %dma_start3A_226] : memref<4x128x64xf32, #tpu.memory_space<vmem>> -> memref<1x128x64xf32, #tpu.memory_space<vmem>>
            %dma_start3A_228 = tpu.memref_squeeze %dma_start3A_227 : memref<1x128x64xf32, #tpu.memory_space<vmem>> -> memref<128x64xf32, #tpu.memory_space<vmem>>
            %dma_start3A_229 = arith.constant 0 : i32
            %dma_start3A_230 = tpu.memref_slice %arg6[%add3A_212, %dma_start3A_229] : memref<10240x64xf32, #tpu.memory_space<hbm>> -> memref<128x64xf32, #tpu.memory_space<hbm>>
            tpu.enqueue_dma source(%dma_start3A_230 : memref<128x64xf32, #tpu.memory_space<hbm>>) target(%dma_start3A_228 : memref<128x64xf32, #tpu.memory_space<vmem>>) target_semaphore(%run_scoped3A : memref<!tpu.dma_semaphore, #tpu.memory_space<semaphore_mem>>)
            %dma_wait3A_231 = arith.constant 0 : i32
            %dma_wait3A_232 = arith.constant 0 : i32
            %dma_wait3A_233 = tpu.memref_slice %arg12[%scan3A_17, %dma_wait3A_231, %dma_wait3A_232] : memref<4x128x64xf32, #tpu.memory_space<vmem>> -> memref<1x128x64xf32, #tpu.memory_space<vmem>>
            %dma_wait3A_234 = tpu.memref_squeeze %dma_wait3A_233 : memref<1x128x64xf32, #tpu.memory_space<vmem>> -> memref<128x64xf32, #tpu.memory_space<vmem>>
            %dma_wait3A_235 = arith.constant 0 : i32
            %dma_wait3A_236 = tpu.memref_slice %arg6[%add3A_212, %dma_wait3A_235] : memref<10240x64xf32, #tpu.memory_space<hbm>> -> memref<128x64xf32, #tpu.memory_space<hbm>>
            %dma_wait3A_237 = arith.constant 0 : i32
            %dma_wait3A_238 = arith.constant 0 : i32
            %dma_wait3A_239 = tpu.memref_slice %arg12[%scan3A_17, %dma_wait3A_237, %dma_wait3A_238] : memref<4x128x64xf32, #tpu.memory_space<vmem>> -> memref<1x128x64xf32, #tpu.memory_space<vmem>>
            %dma_wait3A_240 = tpu.memref_squeeze %dma_wait3A_239 : memref<1x128x64xf32, #tpu.memory_space<vmem>> -> memref<128x64xf32, #tpu.memory_space<vmem>>
            %dma_wait3A_241 = arith.constant 0 : i32
            %dma_wait3A_242 = tpu.memref_slice %arg6[%add3A_212, %dma_wait3A_241] : memref<10240x64xf32, #tpu.memory_space<hbm>> -> memref<128x64xf32, #tpu.memory_space<hbm>>
            tpu.wait_dma2 semaphore(%run_scoped3A : memref<!tpu.dma_semaphore, #tpu.memory_space<semaphore_mem>>) src(%dma_wait3A_242 : memref<128x64xf32, #tpu.memory_space<hbm>>) dst(%dma_wait3A_240 : memref<128x64xf32, #tpu.memory_space<vmem>>)
            tpu.yield
          }) : () -> ()
          %scan3A_213 = arith.constant 0 : i32
          %scan3A_214 = arith.constant 0 : i32
          %scan3A_215 = arith.constant 128 : i32
          %scan3A_216 = arith.addi %scan3A_214, %scan3A_215 : i32
          %scan3A_217 = arith.constant 1 : i32
          scf.for %scan3A_219 = %scan3A_214 to %scan3A_216 step %scan3A_217  : i32 {
            %get3A = arith.constant 0 : i32
            %get3A_220 = arith.constant 0 : i32
            %get3A_221 = tpu.memref_slice %arg12[%scan3A_16, %get3A, %get3A_220] : memref<4x128x64xf32, #tpu.memory_space<vmem>> -> memref<1x128x64xf32, #tpu.memory_space<vmem>>
            %get3A_222 = tpu.memref_squeeze %get3A_221 : memref<1x128x64xf32, #tpu.memory_space<vmem>> -> memref<128x64xf32, #tpu.memory_space<vmem>>
            %get3A_223 = arith.index_cast %scan3A_219 : i32 to index
            %get3A_224 = arith.constant 0 : index
            %get3A_225 = tpu.vector_load %get3A_222[%get3A_223, %get3A_224] {strides = array<i32>} : memref<128x64xf32, #tpu.memory_space<vmem>>, vector<1x16xf32>,
            %get3A_226 = vector.shape_cast %get3A_225 : vector<1x16xf32> to vector<16xf32>
            %mul3A_227 = arith.constant 0.899999976 : f32
            %mul3A_228 = vector.broadcast %mul3A_227 : f32 to vector<16xf32>
            %mul3A_229 = arith.mulf %get3A_226, %mul3A_228 : vector<16xf32>
            %swap3A = arith.constant 0 : i32
            %swap3A_230 = arith.constant 0 : i32
            %swap3A_231 = tpu.memref_slice %arg12[%scan3A_16, %swap3A, %swap3A_230] : memref<4x128x64xf32, #tpu.memory_space<vmem>> -> memref<1x128x64xf32, #tpu.memory_space<vmem>>
            %swap3A_232 = tpu.memref_squeeze %swap3A_231 : memref<1x128x64xf32, #tpu.memory_space<vmem>> -> memref<128x64xf32, #tpu.memory_space<vmem>>
            %swap3A_233 = arith.index_cast %scan3A_219 : i32 to index
            %swap3A_234 = arith.constant 0 : index
            %swap3A_235 = tpu.vector_load %swap3A_232[%swap3A_233, %swap3A_234] {strides = array<i32>} : memref<128x64xf32, #tpu.memory_space<vmem>>, vector<1x16xf32>,
            %swap3A_236 = vector.shape_cast %swap3A_235 : vector<1x16xf32> to vector<16xf32>
            %swap3A_237 = vector.shape_cast %mul3A_229 : vector<16xf32> to vector<1x16xf32>
            tpu.vector_store %swap3A_232[%swap3A_233, %swap3A_234], %swap3A_237 {strides = array<i32>} : memref<128x64xf32, #tpu.memory_space<vmem>>, vector<1x16xf32>,
            %get3A_238 = arith.constant 0 : i32
            %get3A_239 = arith.constant 0 : i32
            %get3A_240 = tpu.memref_slice %arg12[%scan3A_16, %get3A_238, %get3A_239] : memref<4x128x64xf32, #tpu.memory_space<vmem>> -> memref<1x128x64xf32, #tpu.memory_space<vmem>>
            %get3A_241 = tpu.memref_squeeze %get3A_240 : memref<1x128x64xf32, #tpu.memory_space<vmem>> -> memref<128x64xf32, #tpu.memory_space<vmem>>
            %get3A_242 = arith.index_cast %scan3A_219 : i32 to index
            %get3A_243 = arith.constant 16 : index
            %get3A_244 = tpu.vector_load %get3A_241[%get3A_242, %get3A_243] {strides = array<i32>} : memref<128x64xf32, #tpu.memory_space<vmem>>, vector<1x16xf32>,
            %get3A_245 = vector.shape_cast %get3A_244 : vector<1x16xf32> to vector<16xf32>
            %mul3A_246 = arith.constant 0.899999976 : f32
            %mul3A_247 = vector.broadcast %mul3A_246 : f32 to vector<16xf32>
            %mul3A_248 = arith.mulf %get3A_245, %mul3A_247 : vector<16xf32>
            %swap3A_249 = arith.constant 0 : i32
            %swap3A_250 = arith.constant 0 : i32
            %swap3A_251 = tpu.memref_slice %arg12[%scan3A_16, %swap3A_249, %swap3A_250] : memref<4x128x64xf32, #tpu.memory_space<vmem>> -> memref<1x128x64xf32, #tpu.memory_space<vmem>>
            %swap3A_252 = tpu.memref_squeeze %swap3A_251 : memref<1x128x64xf32, #tpu.memory_space<vmem>> -> memref<128x64xf32, #tpu.memory_space<vmem>>
            %swap3A_253 = arith.index_cast %scan3A_219 : i32 to index
            %swap3A_254 = arith.constant 16 : index
            %swap3A_255 = tpu.vector_load %swap3A_252[%swap3A_253, %swap3A_254] {strides = array<i32>} : memref<128x64xf32, #tpu.memory_space<vmem>>, vector<1x16xf32>,
            %swap3A_256 = vector.shape_cast %swap3A_255 : vector<1x16xf32> to vector<16xf32>
            %swap3A_257 = vector.shape_cast %mul3A_248 : vector<16xf32> to vector<1x16xf32>
            tpu.vector_store %swap3A_252[%swap3A_253, %swap3A_254], %swap3A_257 {strides = array<i32>} : memref<128x64xf32, #tpu.memory_space<vmem>>, vector<1x16xf32>,
            %get3A_258 = arith.constant 0 : i32
            %get3A_259 = arith.constant 0 : i32
            %get3A_260 = tpu.memref_slice %arg12[%scan3A_16, %get3A_258, %get3A_259] : memref<4x128x64xf32, #tpu.memory_space<vmem>> -> memref<1x128x64xf32, #tpu.memory_space<vmem>>
            %get3A_261 = tpu.memref_squeeze %get3A_260 : memref<1x128x64xf32, #tpu.memory_space<vmem>> -> memref<128x64xf32, #tpu.memory_space<vmem>>
            %get3A_262 = arith.index_cast %scan3A_219 : i32 to index
            %get3A_263 = arith.constant 32 : index
            %get3A_264 = tpu.vector_load %get3A_261[%get3A_262, %get3A_263] {strides = array<i32>} : memref<128x64xf32, #tpu.memory_space<vmem>>, vector<1x16xf32>,
            %get3A_265 = vector.shape_cast %get3A_264 : vector<1x16xf32> to vector<16xf32>
            %mul3A_266 = arith.constant 0.899999976 : f32
            %mul3A_267 = vector.broadcast %mul3A_266 : f32 to vector<16xf32>
            %mul3A_268 = arith.mulf %get3A_265, %mul3A_267 : vector<16xf32>
            %swap3A_269 = arith.constant 0 : i32
            %swap3A_270 = arith.constant 0 : i32
            %swap3A_271 = tpu.memref_slice %arg12[%scan3A_16, %swap3A_269, %swap3A_270] : memref<4x128x64xf32, #tpu.memory_space<vmem>> -> memref<1x128x64xf32, #tpu.memory_space<vmem>>
            %swap3A_272 = tpu.memref_squeeze %swap3A_271 : memref<1x128x64xf32, #tpu.memory_space<vmem>> -> memref<128x64xf32, #tpu.memory_space<vmem>>
            %swap3A_273 = arith.index_cast %scan3A_219 : i32 to index
            %swap3A_274 = arith.constant 32 : index
            %swap3A_275 = tpu.vector_load %swap3A_272[%swap3A_273, %swap3A_274] {strides = array<i32>} : memref<128x64xf32, #tpu.memory_space<vmem>>, vector<1x16xf32>,
            %swap3A_276 = vector.shape_cast %swap3A_275 : vector<1x16xf32> to vector<16xf32>
            %swap3A_277 = vector.shape_cast %mul3A_268 : vector<16xf32> to vector<1x16xf32>
            tpu.vector_store %swap3A_272[%swap3A_273, %swap3A_274], %swap3A_277 {strides = array<i32>} : memref<128x64xf32, #tpu.memory_space<vmem>>, vector<1x16xf32>,
            %get3A_278 = arith.constant 0 : i32
            %get3A_279 = arith.constant 0 : i32
            %get3A_280 = tpu.memref_slice %arg12[%scan3A_16, %get3A_278, %get3A_279] : memref<4x128x64xf32, #tpu.memory_space<vmem>> -> memref<1x128x64xf32, #tpu.memory_space<vmem>>
            %get3A_281 = tpu.memref_squeeze %get3A_280 : memref<1x128x64xf32, #tpu.memory_space<vmem>> -> memref<128x64xf32, #tpu.memory_space<vmem>>
            %get3A_282 = arith.index_cast %scan3A_219 : i32 to index
            %get3A_283 = arith.constant 48 : index
            %get3A_284 = tpu.vector_load %get3A_281[%get3A_282, %get3A_283] {strides = array<i32>} : memref<128x64xf32, #tpu.memory_space<vmem>>, vector<1x16xf32>,
            %get3A_285 = vector.shape_cast %get3A_284 : vector<1x16xf32> to vector<16xf32>
            %mul3A_286 = arith.constant 0.899999976 : f32
            %mul3A_287 = vector.broadcast %mul3A_286 : f32 to vector<16xf32>
            %mul3A_288 = arith.mulf %get3A_285, %mul3A_287 : vector<16xf32>
            %swap3A_289 = arith.constant 0 : i32
            %swap3A_290 = arith.constant 0 : i32
            %swap3A_291 = tpu.memref_slice %arg12[%scan3A_16, %swap3A_289, %swap3A_290] : memref<4x128x64xf32, #tpu.memory_space<vmem>> -> memref<1x128x64xf32, #tpu.memory_space<vmem>>
            %swap3A_292 = tpu.memref_squeeze %swap3A_291 : memref<1x128x64xf32, #tpu.memory_space<vmem>> -> memref<128x64xf32, #tpu.memory_space<vmem>>
            %swap3A_293 = arith.index_cast %scan3A_219 : i32 to index
            %swap3A_294 = arith.constant 48 : index
            %swap3A_295 = tpu.vector_load %swap3A_292[%swap3A_293, %swap3A_294] {strides = array<i32>} : memref<128x64xf32, #tpu.memory_space<vmem>>, vector<1x16xf32>,
            %swap3A_296 = vector.shape_cast %swap3A_295 : vector<1x16xf32> to vector<16xf32>
            %swap3A_297 = vector.shape_cast %mul3A_288 : vector<16xf32> to vector<1x16xf32>
            tpu.vector_store %swap3A_292[%swap3A_293, %swap3A_294], %swap3A_297 {strides = array<i32>} : memref<128x64xf32, #tpu.memory_space<vmem>>, vector<1x16xf32>,
          }
          %scan3A_218 = arith.constant 128 : i32
          "tpu.region"() ({
            %run_scoped3A = tpu.sem_alloc : memref<!tpu.dma_semaphore, #tpu.memory_space<semaphore_mem>>
            %dma_start3A_219 = arith.constant 0 : i32
            %dma_start3A_220 = arith.constant 0 : i32
            %dma_start3A_221 = tpu.memref_slice %arg12[%scan3A_16, %dma_start3A_219, %dma_start3A_220] : memref<4x128x64xf32, #tpu.memory_space<vmem>> -> memref<1x128x64xf32, #tpu.memory_space<vmem>>
            %dma_start3A_222 = tpu.memref_squeeze %dma_start3A_221 : memref<1x128x64xf32, #tpu.memory_space<vmem>> -> memref<128x64xf32, #tpu.memory_space<vmem>>
            %dma_start3A_223 = arith.constant 0 : i32
            %dma_start3A_224 = tpu.memref_slice %arg8[%add3A_212, %dma_start3A_223] : memref<10240x64xf32, #tpu.memory_space<hbm>> -> memref<128x64xf32, #tpu.memory_space<hbm>>
            %dma_start3A_225 = arith.constant 0 : i32
            %dma_start3A_226 = tpu.memref_slice %arg8[%add3A_212, %dma_start3A_225] : memref<10240x64xf32, #tpu.memory_space<hbm>> -> memref<128x64xf32, #tpu.memory_space<hbm>>
            %dma_start3A_227 = arith.constant 0 : i32
            %dma_start3A_228 = arith.constant 0 : i32
            %dma_start3A_229 = tpu.memref_slice %arg12[%scan3A_16, %dma_start3A_227, %dma_start3A_228] : memref<4x128x64xf32, #tpu.memory_space<vmem>> -> memref<1x128x64xf32, #tpu.memory_space<vmem>>
            %dma_start3A_230 = tpu.memref_squeeze %dma_start3A_229 : memref<1x128x64xf32, #tpu.memory_space<vmem>> -> memref<128x64xf32, #tpu.memory_space<vmem>>
            tpu.enqueue_dma source(%dma_start3A_230 : memref<128x64xf32, #tpu.memory_space<vmem>>) target(%dma_start3A_226 : memref<128x64xf32, #tpu.memory_space<hbm>>) target_semaphore(%run_scoped3A : memref<!tpu.dma_semaphore, #tpu.memory_space<semaphore_mem>>)
            %dma_wait3A_231 = arith.constant 0 : i32
            %dma_wait3A_232 = arith.constant 0 : i32
            %dma_wait3A_233 = tpu.memref_slice %arg12[%scan3A_16, %dma_wait3A_231, %dma_wait3A_232] : memref<4x128x64xf32, #tpu.memory_space<vmem>> -> memref<1x128x64xf32, #tpu.memory_space<vmem>>
            %dma_wait3A_234 = tpu.memref_squeeze %dma_wait3A_233 : memref<1x128x64xf32, #tpu.memory_space<vmem>> -> memref<128x64xf32, #tpu.memory_space<vmem>>
            %dma_wait3A_235 = arith.constant 0 : i32
            %dma_wait3A_236 = tpu.memref_slice %arg8[%add3A_212, %dma_wait3A_235] : memref<10240x64xf32, #tpu.memory_space<hbm>> -> memref<128x64xf32, #tpu.memory_space<hbm>>
            %dma_wait3A_237 = arith.constant 0 : i32
            %dma_wait3A_238 = tpu.memref_slice %arg8[%add3A_212, %dma_wait3A_237] : memref<10240x64xf32, #tpu.memory_space<hbm>> -> memref<128x64xf32, #tpu.memory_space<hbm>>
            %dma_wait3A_239 = arith.constant 0 : i32
            %dma_wait3A_240 = arith.constant 0 : i32
            %dma_wait3A_241 = tpu.memref_slice %arg12[%scan3A_16, %dma_wait3A_239, %dma_wait3A_240] : memref<4x128x64xf32, #tpu.memory_space<vmem>> -> memref<1x128x64xf32, #tpu.memory_space<vmem>>
            %dma_wait3A_242 = tpu.memref_squeeze %dma_wait3A_241 : memref<1x128x64xf32, #tpu.memory_space<vmem>> -> memref<128x64xf32, #tpu.memory_space<vmem>>
            tpu.wait_dma2 semaphore(%run_scoped3A : memref<!tpu.dma_semaphore, #tpu.memory_space<semaphore_mem>>) src(%dma_wait3A_242 : memref<128x64xf32, #tpu.memory_space<vmem>>) dst(%dma_wait3A_238 : memref<128x64xf32, #tpu.memory_space<hbm>>)
            tpu.yield
          }) : () -> ()
          "tpu.region"() ({
            %run_scoped3A = tpu.sem_alloc : memref<!tpu.dma_semaphore, #tpu.memory_space<semaphore_mem>>
            %dma_start3A_219 = arith.constant 0 : i32
            %dma_start3A_220 = arith.constant 0 : i32
            %dma_start3A_221 = tpu.memref_slice %arg12[%scan3A_17, %dma_start3A_219, %dma_start3A_220] : memref<4x128x64xf32, #tpu.memory_space<vmem>> -> memref<1x128x64xf32, #tpu.memory_space<vmem>>
            %dma_start3A_222 = tpu.memref_squeeze %dma_start3A_221 : memref<1x128x64xf32, #tpu.memory_space<vmem>> -> memref<128x64xf32, #tpu.memory_space<vmem>>
            %dma_start3A_223 = arith.constant 0 : i32
            %dma_start3A_224 = tpu.memref_slice %arg13[%add3A_212, %dma_start3A_223] : memref<10240x64xf32, #tpu.memory_space<vmem_shared>> -> memref<128x64xf32, #tpu.memory_space<vmem_shared>>
            %dma_start3A_225 = arith.constant 0 : i32
            %dma_start3A_226 = tpu.memref_slice %arg13[%add3A_212, %dma_start3A_225] : memref<10240x64xf32, #tpu.memory_space<vmem_shared>> -> memref<128x64xf32, #tpu.memory_space<vmem_shared>>
            %dma_start3A_227 = arith.constant 0 : i32
            %dma_start3A_228 = arith.constant 0 : i32
            %dma_start3A_229 = tpu.memref_slice %arg12[%scan3A_17, %dma_start3A_227, %dma_start3A_228] : memref<4x128x64xf32, #tpu.memory_space<vmem>> -> memref<1x128x64xf32, #tpu.memory_space<vmem>>
            %dma_start3A_230 = tpu.memref_squeeze %dma_start3A_229 : memref<1x128x64xf32, #tpu.memory_space<vmem>> -> memref<128x64xf32, #tpu.memory_space<vmem>>
            tpu.enqueue_dma source(%dma_start3A_230 : memref<128x64xf32, #tpu.memory_space<vmem>>) target(%dma_start3A_226 : memref<128x64xf32, #tpu.memory_space<vmem_shared>>) target_semaphore(%run_scoped3A : memref<!tpu.dma_semaphore, #tpu.memory_space<semaphore_mem>>)
            %dma_wait3A_231 = arith.constant 0 : i32
            %dma_wait3A_232 = arith.constant 0 : i32
            %dma_wait3A_233 = tpu.memref_slice %arg12[%scan3A_17, %dma_wait3A_231, %dma_wait3A_232] : memref<4x128x64xf32, #tpu.memory_space<vmem>> -> memref<1x128x64xf32, #tpu.memory_space<vmem>>
            %dma_wait3A_234 = tpu.memref_squeeze %dma_wait3A_233 : memref<1x128x64xf32, #tpu.memory_space<vmem>> -> memref<128x64xf32, #tpu.memory_space<vmem>>
            %dma_wait3A_235 = arith.constant 0 : i32
            %dma_wait3A_236 = tpu.memref_slice %arg13[%add3A_212, %dma_wait3A_235] : memref<10240x64xf32, #tpu.memory_space<vmem_shared>> -> memref<128x64xf32, #tpu.memory_space<vmem_shared>>
            %dma_wait3A_237 = arith.constant 0 : i32
            %dma_wait3A_238 = tpu.memref_slice %arg13[%add3A_212, %dma_wait3A_237] : memref<10240x64xf32, #tpu.memory_space<vmem_shared>> -> memref<128x64xf32, #tpu.memory_space<vmem_shared>>
            %dma_wait3A_239 = arith.constant 0 : i32
            %dma_wait3A_240 = arith.constant 0 : i32
            %dma_wait3A_241 = tpu.memref_slice %arg12[%scan3A_17, %dma_wait3A_239, %dma_wait3A_240] : memref<4x128x64xf32, #tpu.memory_space<vmem>> -> memref<1x128x64xf32, #tpu.memory_space<vmem>>
            %dma_wait3A_242 = tpu.memref_squeeze %dma_wait3A_241 : memref<1x128x64xf32, #tpu.memory_space<vmem>> -> memref<128x64xf32, #tpu.memory_space<vmem>>
            tpu.wait_dma2 semaphore(%run_scoped3A : memref<!tpu.dma_semaphore, #tpu.memory_space<semaphore_mem>>) src(%dma_wait3A_242 : memref<128x64xf32, #tpu.memory_space<vmem>>) dst(%dma_wait3A_238 : memref<128x64xf32, #tpu.memory_space<vmem_shared>>)
            tpu.yield
          }) : () -> ()
        }
        %scan3A_207 = arith.constant 5 : i32
        %barrier3A_208 = arith.constant 0 : index
        tpu.barrier barrier_id(%barrier3A_208)
        "tpu.trace_stop"() : () -> ()
      }
      %scan3A_22 = arith.constant 10 : i32
    } else {
    }
    %eq3A_2 = arith.constant 1 : i32
    %eq3A_3 = arith.cmpi eq, %arg0, %eq3A_2 : i32
    %convert_element_type3A_4 = arith.extui %eq3A_3 : i1 to i32
    %cond3A_5 = arith.constant 0 : i32
    %cond3A_6 = arith.cmpi ne, %convert_element_type3A_4, %cond3A_5 : i32
    scf.if %cond3A_6 {
      %mul3A = arith.constant 640 : i32
      %mul3A_7 = arith.muli %arg1, %mul3A : i32
      %scan3A = arith.constant 0 : i32
      %scan3A_8 = arith.constant 0 : i32
      %scan3A_9 = arith.constant 1 : i32
      %scan3A_10 = arith.constant 0 : i32
      %scan3A_11 = arith.constant 5 : i32
      %scan3A_12 = arith.addi %scan3A_10, %scan3A_11 : i32
      %scan3A_13 = arith.constant 1 : i32
      scf.for %scan3A_23 = %scan3A_10 to %scan3A_12 step %scan3A_13  : i32 {
        %mul3A_24 = arith.constant 128 : i32
        %mul3A_25 = arith.muli %scan3A_23, %mul3A_24 : i32
        %add3A = arith.addi %mul3A_7, %mul3A_25 : i32
        "tpu.region"() ({
          %run_scoped3A = tpu.sem_alloc : memref<!tpu.dma_semaphore, #tpu.memory_space<semaphore_mem>>
          %dma_start3A = arith.constant 0 : i32
          %dma_start3A_26 = arith.constant 0 : i32
          %dma_start3A_27 = tpu.memref_slice %arg12[%scan3A_8, %dma_start3A, %dma_start3A_26] : memref<4x128x64xf32, #tpu.memory_space<vmem>> -> memref<1x128x64xf32, #tpu.memory_space<vmem>>
          %dma_start3A_28 = tpu.memref_squeeze %dma_start3A_27 : memref<1x128x64xf32, #tpu.memory_space<vmem>> -> memref<128x64xf32, #tpu.memory_space<vmem>>
          %dma_start3A_29 = arith.constant 0 : i32
          %dma_start3A_30 = tpu.memref_slice %arg5[%add3A, %dma_start3A_29] : memref<10240x64xf32, #tpu.memory_space<hbm>> -> memref<128x64xf32, #tpu.memory_space<hbm>>
          %dma_start3A_31 = arith.constant 0 : i32
          %dma_start3A_32 = arith.constant 0 : i32
          %dma_start3A_33 = tpu.memref_slice %arg12[%scan3A_8, %dma_start3A_31, %dma_start3A_32] : memref<4x128x64xf32, #tpu.memory_space<vmem>> -> memref<1x128x64xf32, #tpu.memory_space<vmem>>
          %dma_start3A_34 = tpu.memref_squeeze %dma_start3A_33 : memref<1x128x64xf32, #tpu.memory_space<vmem>> -> memref<128x64xf32, #tpu.memory_space<vmem>>
          %dma_start3A_35 = arith.constant 0 : i32
          %dma_start3A_36 = tpu.memref_slice %arg5[%add3A, %dma_start3A_35] : memref<10240x64xf32, #tpu.memory_space<hbm>> -> memref<128x64xf32, #tpu.memory_space<hbm>>
          tpu.enqueue_dma source(%dma_start3A_36 : memref<128x64xf32, #tpu.memory_space<hbm>>) target(%dma_start3A_34 : memref<128x64xf32, #tpu.memory_space<vmem>>) target_semaphore(%run_scoped3A : memref<!tpu.dma_semaphore, #tpu.memory_space<semaphore_mem>>)
          %dma_wait3A = arith.constant 0 : i32
          %dma_wait3A_37 = arith.constant 0 : i32
          %dma_wait3A_38 = tpu.memref_slice %arg12[%scan3A_8, %dma_wait3A, %dma_wait3A_37] : memref<4x128x64xf32, #tpu.memory_space<vmem>> -> memref<1x128x64xf32, #tpu.memory_space<vmem>>
          %dma_wait3A_39 = tpu.memref_squeeze %dma_wait3A_38 : memref<1x128x64xf32, #tpu.memory_space<vmem>> -> memref<128x64xf32, #tpu.memory_space<vmem>>
          %dma_wait3A_40 = arith.constant 0 : i32
          %dma_wait3A_41 = tpu.memref_slice %arg5[%add3A, %dma_wait3A_40] : memref<10240x64xf32, #tpu.memory_space<hbm>> -> memref<128x64xf32, #tpu.memory_space<hbm>>
          %dma_wait3A_42 = arith.constant 0 : i32
          %dma_wait3A_43 = arith.constant 0 : i32
          %dma_wait3A_44 = tpu.memref_slice %arg12[%scan3A_8, %dma_wait3A_42, %dma_wait3A_43] : memref<4x128x64xf32, #tpu.memory_space<vmem>> -> memref<1x128x64xf32, #tpu.memory_space<vmem>>
          %dma_wait3A_45 = tpu.memref_squeeze %dma_wait3A_44 : memref<1x128x64xf32, #tpu.memory_space<vmem>> -> memref<128x64xf32, #tpu.memory_space<vmem>>
          %dma_wait3A_46 = arith.constant 0 : i32
          %dma_wait3A_47 = tpu.memref_slice %arg5[%add3A, %dma_wait3A_46] : memref<10240x64xf32, #tpu.memory_space<hbm>> -> memref<128x64xf32, #tpu.memory_space<hbm>>
          tpu.wait_dma2 semaphore(%run_scoped3A : memref<!tpu.dma_semaphore, #tpu.memory_space<semaphore_mem>>) src(%dma_wait3A_47 : memref<128x64xf32, #tpu.memory_space<hbm>>) dst(%dma_wait3A_45 : memref<128x64xf32, #tpu.memory_space<vmem>>)
          tpu.yield
        }) : () -> ()
        "tpu.region"() ({
          %run_scoped3A = tpu.sem_alloc : memref<!tpu.dma_semaphore, #tpu.memory_space<semaphore_mem>>
          %dma_start3A = arith.constant 0 : i32
          %dma_start3A_26 = arith.constant 0 : i32
          %dma_start3A_27 = tpu.memref_slice %arg12[%scan3A_8, %dma_start3A, %dma_start3A_26] : memref<4x128x64xf32, #tpu.memory_space<vmem>> -> memref<1x128x64xf32, #tpu.memory_space<vmem>>
          %dma_start3A_28 = tpu.memref_squeeze %dma_start3A_27 : memref<1x128x64xf32, #tpu.memory_space<vmem>> -> memref<128x64xf32, #tpu.memory_space<vmem>>
          %dma_start3A_29 = arith.constant 0 : i32
          %dma_start3A_30 = tpu.memref_slice %arg9[%add3A, %dma_start3A_29] : memref<10240x64xf32, #tpu.memory_space<hbm>> -> memref<128x64xf32, #tpu.memory_space<hbm>>
          %dma_start3A_31 = arith.constant 0 : i32
          %dma_start3A_32 = tpu.memref_slice %arg9[%add3A, %dma_start3A_31] : memref<10240x64xf32, #tpu.memory_space<hbm>> -> memref<128x64xf32, #tpu.memory_space<hbm>>
          %dma_start3A_33 = arith.constant 0 : i32
          %dma_start3A_34 = arith.constant 0 : i32
          %dma_start3A_35 = tpu.memref_slice %arg12[%scan3A_8, %dma_start3A_33, %dma_start3A_34] : memref<4x128x64xf32, #tpu.memory_space<vmem>> -> memref<1x128x64xf32, #tpu.memory_space<vmem>>
          %dma_start3A_36 = tpu.memref_squeeze %dma_start3A_35 : memref<1x128x64xf32, #tpu.memory_space<vmem>> -> memref<128x64xf32, #tpu.memory_space<vmem>>
          tpu.enqueue_dma source(%dma_start3A_36 : memref<128x64xf32, #tpu.memory_space<vmem>>) target(%dma_start3A_32 : memref<128x64xf32, #tpu.memory_space<hbm>>) target_semaphore(%run_scoped3A : memref<!tpu.dma_semaphore, #tpu.memory_space<semaphore_mem>>)
          %dma_wait3A = arith.constant 0 : i32
          %dma_wait3A_37 = arith.constant 0 : i32
          %dma_wait3A_38 = tpu.memref_slice %arg12[%scan3A_8, %dma_wait3A, %dma_wait3A_37] : memref<4x128x64xf32, #tpu.memory_space<vmem>> -> memref<1x128x64xf32, #tpu.memory_space<vmem>>
          %dma_wait3A_39 = tpu.memref_squeeze %dma_wait3A_38 : memref<1x128x64xf32, #tpu.memory_space<vmem>> -> memref<128x64xf32, #tpu.memory_space<vmem>>
          %dma_wait3A_40 = arith.constant 0 : i32
          %dma_wait3A_41 = tpu.memref_slice %arg9[%add3A, %dma_wait3A_40] : memref<10240x64xf32, #tpu.memory_space<hbm>> -> memref<128x64xf32, #tpu.memory_space<hbm>>
          %dma_wait3A_42 = arith.constant 0 : i32
          %dma_wait3A_43 = tpu.memref_slice %arg9[%add3A, %dma_wait3A_42] : memref<10240x64xf32, #tpu.memory_space<hbm>> -> memref<128x64xf32, #tpu.memory_space<hbm>>
          %dma_wait3A_44 = arith.constant 0 : i32
          %dma_wait3A_45 = arith.constant 0 : i32
          %dma_wait3A_46 = tpu.memref_slice %arg12[%scan3A_8, %dma_wait3A_44, %dma_wait3A_45] : memref<4x128x64xf32, #tpu.memory_space<vmem>> -> memref<1x128x64xf32, #tpu.memory_space<vmem>>
          %dma_wait3A_47 = tpu.memref_squeeze %dma_wait3A_46 : memref<1x128x64xf32, #tpu.memory_space<vmem>> -> memref<128x64xf32, #tpu.memory_space<vmem>>
          tpu.wait_dma2 semaphore(%run_scoped3A : memref<!tpu.dma_semaphore, #tpu.memory_space<semaphore_mem>>) src(%dma_wait3A_47 : memref<128x64xf32, #tpu.memory_space<vmem>>) dst(%dma_wait3A_43 : memref<128x64xf32, #tpu.memory_space<hbm>>)
          tpu.yield
        }) : () -> ()
        "tpu.region"() ({
          %run_scoped3A = tpu.sem_alloc : memref<!tpu.dma_semaphore, #tpu.memory_space<semaphore_mem>>
          %dma_start3A = arith.constant 0 : i32
          %dma_start3A_26 = arith.constant 0 : i32
          %dma_start3A_27 = tpu.memref_slice %arg12[%scan3A_9, %dma_start3A, %dma_start3A_26] : memref<4x128x64xf32, #tpu.memory_space<vmem>> -> memref<1x128x64xf32, #tpu.memory_space<vmem>>
          %dma_start3A_28 = tpu.memref_squeeze %dma_start3A_27 : memref<1x128x64xf32, #tpu.memory_space<vmem>> -> memref<128x64xf32, #tpu.memory_space<vmem>>
          %dma_start3A_29 = arith.constant 0 : i32
          %dma_start3A_30 = tpu.memref_slice %arg7[%add3A, %dma_start3A_29] : memref<10240x64xf32, #tpu.memory_space<hbm>> -> memref<128x64xf32, #tpu.memory_space<hbm>>
          %dma_start3A_31 = arith.constant 0 : i32
          %dma_start3A_32 = arith.constant 0 : i32
          %dma_start3A_33 = tpu.memref_slice %arg12[%scan3A_9, %dma_start3A_31, %dma_start3A_32] : memref<4x128x64xf32, #tpu.memory_space<vmem>> -> memref<1x128x64xf32, #tpu.memory_space<vmem>>
          %dma_start3A_34 = tpu.memref_squeeze %dma_start3A_33 : memref<1x128x64xf32, #tpu.memory_space<vmem>> -> memref<128x64xf32, #tpu.memory_space<vmem>>
          %dma_start3A_35 = arith.constant 0 : i32
          %dma_start3A_36 = tpu.memref_slice %arg7[%add3A, %dma_start3A_35] : memref<10240x64xf32, #tpu.memory_space<hbm>> -> memref<128x64xf32, #tpu.memory_space<hbm>>
          tpu.enqueue_dma source(%dma_start3A_36 : memref<128x64xf32, #tpu.memory_space<hbm>>) target(%dma_start3A_34 : memref<128x64xf32, #tpu.memory_space<vmem>>) target_semaphore(%run_scoped3A : memref<!tpu.dma_semaphore, #tpu.memory_space<semaphore_mem>>)
          %dma_wait3A = arith.constant 0 : i32
          %dma_wait3A_37 = arith.constant 0 : i32
          %dma_wait3A_38 = tpu.memref_slice %arg12[%scan3A_9, %dma_wait3A, %dma_wait3A_37] : memref<4x128x64xf32, #tpu.memory_space<vmem>> -> memref<1x128x64xf32, #tpu.memory_space<vmem>>
          %dma_wait3A_39 = tpu.memref_squeeze %dma_wait3A_38 : memref<1x128x64xf32, #tpu.memory_space<vmem>> -> memref<128x64xf32, #tpu.memory_space<vmem>>
          %dma_wait3A_40 = arith.constant 0 : i32
          %dma_wait3A_41 = tpu.memref_slice %arg7[%add3A, %dma_wait3A_40] : memref<10240x64xf32, #tpu.memory_space<hbm>> -> memref<128x64xf32, #tpu.memory_space<hbm>>
          %dma_wait3A_42 = arith.constant 0 : i32
          %dma_wait3A_43 = arith.constant 0 : i32
          %dma_wait3A_44 = tpu.memref_slice %arg12[%scan3A_9, %dma_wait3A_42, %dma_wait3A_43] : memref<4x128x64xf32, #tpu.memory_space<vmem>> -> memref<1x128x64xf32, #tpu.memory_space<vmem>>
          %dma_wait3A_45 = tpu.memref_squeeze %dma_wait3A_44 : memref<1x128x64xf32, #tpu.memory_space<vmem>> -> memref<128x64xf32, #tpu.memory_space<vmem>>
          %dma_wait3A_46 = arith.constant 0 : i32
          %dma_wait3A_47 = tpu.memref_slice %arg7[%add3A, %dma_wait3A_46] : memref<10240x64xf32, #tpu.memory_space<hbm>> -> memref<128x64xf32, #tpu.memory_space<hbm>>
          tpu.wait_dma2 semaphore(%run_scoped3A : memref<!tpu.dma_semaphore, #tpu.memory_space<semaphore_mem>>) src(%dma_wait3A_47 : memref<128x64xf32, #tpu.memory_space<hbm>>) dst(%dma_wait3A_45 : memref<128x64xf32, #tpu.memory_space<vmem>>)
          tpu.yield
        }) : () -> ()
        "tpu.region"() ({
          %run_scoped3A = tpu.sem_alloc : memref<!tpu.dma_semaphore, #tpu.memory_space<semaphore_mem>>
          %dma_start3A = arith.constant 0 : i32
          %dma_start3A_26 = arith.constant 0 : i32
          %dma_start3A_27 = tpu.memref_slice %arg12[%scan3A_9, %dma_start3A, %dma_start3A_26] : memref<4x128x64xf32, #tpu.memory_space<vmem>> -> memref<1x128x64xf32, #tpu.memory_space<vmem>>
          %dma_start3A_28 = tpu.memref_squeeze %dma_start3A_27 : memref<1x128x64xf32, #tpu.memory_space<vmem>> -> memref<128x64xf32, #tpu.memory_space<vmem>>
          %dma_start3A_29 = arith.constant 0 : i32
          %dma_start3A_30 = tpu.memref_slice %arg13[%add3A, %dma_start3A_29] : memref<10240x64xf32, #tpu.memory_space<vmem_shared>> -> memref<128x64xf32, #tpu.memory_space<vmem_shared>>
          %dma_start3A_31 = arith.constant 0 : i32
          %dma_start3A_32 = tpu.memref_slice %arg13[%add3A, %dma_start3A_31] : memref<10240x64xf32, #tpu.memory_space<vmem_shared>> -> memref<128x64xf32, #tpu.memory_space<vmem_shared>>
          %dma_start3A_33 = arith.constant 0 : i32
          %dma_start3A_34 = arith.constant 0 : i32
          %dma_start3A_35 = tpu.memref_slice %arg12[%scan3A_9, %dma_start3A_33, %dma_start3A_34] : memref<4x128x64xf32, #tpu.memory_space<vmem>> -> memref<1x128x64xf32, #tpu.memory_space<vmem>>
          %dma_start3A_36 = tpu.memref_squeeze %dma_start3A_35 : memref<1x128x64xf32, #tpu.memory_space<vmem>> -> memref<128x64xf32, #tpu.memory_space<vmem>>
          tpu.enqueue_dma source(%dma_start3A_36 : memref<128x64xf32, #tpu.memory_space<vmem>>) target(%dma_start3A_32 : memref<128x64xf32, #tpu.memory_space<vmem_shared>>) target_semaphore(%run_scoped3A : memref<!tpu.dma_semaphore, #tpu.memory_space<semaphore_mem>>)
          %dma_wait3A = arith.constant 0 : i32
          %dma_wait3A_37 = arith.constant 0 : i32
          %dma_wait3A_38 = tpu.memref_slice %arg12[%scan3A_9, %dma_wait3A, %dma_wait3A_37] : memref<4x128x64xf32, #tpu.memory_space<vmem>> -> memref<1x128x64xf32, #tpu.memory_space<vmem>>
          %dma_wait3A_39 = tpu.memref_squeeze %dma_wait3A_38 : memref<1x128x64xf32, #tpu.memory_space<vmem>> -> memref<128x64xf32, #tpu.memory_space<vmem>>
          %dma_wait3A_40 = arith.constant 0 : i32
          %dma_wait3A_41 = tpu.memref_slice %arg13[%add3A, %dma_wait3A_40] : memref<10240x64xf32, #tpu.memory_space<vmem_shared>> -> memref<128x64xf32, #tpu.memory_space<vmem_shared>>
          %dma_wait3A_42 = arith.constant 0 : i32
          %dma_wait3A_43 = tpu.memref_slice %arg13[%add3A, %dma_wait3A_42] : memref<10240x64xf32, #tpu.memory_space<vmem_shared>> -> memref<128x64xf32, #tpu.memory_space<vmem_shared>>
          %dma_wait3A_44 = arith.constant 0 : i32
          %dma_wait3A_45 = arith.constant 0 : i32
          %dma_wait3A_46 = tpu.memref_slice %arg12[%scan3A_9, %dma_wait3A_44, %dma_wait3A_45] : memref<4x128x64xf32, #tpu.memory_space<vmem>> -> memref<1x128x64xf32, #tpu.memory_space<vmem>>
          %dma_wait3A_47 = tpu.memref_squeeze %dma_wait3A_46 : memref<1x128x64xf32, #tpu.memory_space<vmem>> -> memref<128x64xf32, #tpu.memory_space<vmem>>
          tpu.wait_dma2 semaphore(%run_scoped3A : memref<!tpu.dma_semaphore, #tpu.memory_space<semaphore_mem>>) src(%dma_wait3A_47 : memref<128x64xf32, #tpu.memory_space<vmem>>) dst(%dma_wait3A_43 : memref<128x64xf32, #tpu.memory_space<vmem_shared>>)
          tpu.yield
        }) : () -> ()
      }
      %scan3A_14 = arith.constant 5 : i32
      %barrier3A = arith.constant 0 : index
      tpu.barrier barrier_id(%barrier3A)
      %scan3A_15 = arith.constant 0 : i32
      %scan3A_16 = arith.constant 0 : i32
      %scan3A_17 = arith.constant 1 : i32
      %scan3A_18 = arith.constant 0 : i32
      %scan3A_19 = arith.constant 10 : i32
      %scan3A_20 = arith.addi %scan3A_18, %scan3A_19 : i32
      %scan3A_21 = arith.constant 1 : i32
      scf.for %scan3A_23 = %scan3A_18 to %scan3A_20 step %scan3A_21  : i32 {
        %dma_start3A = arith.constant 0 : i32
        %dma_start3A_24 = arith.constant 0 : i32
        "tpu.trace_start"() <{level = 10 : i32, message = "phaseA"}> : () -> ()
        %dma_start3A_25 = arith.constant 0 : i32
        %dma_start3A_26 = arith.constant 0 : i32
        %dma_start3A_27 = tpu.memref_slice %arg12[%dma_start3A_24, %dma_start3A_25, %dma_start3A_26] : memref<4x128x64xf32, #tpu.memory_space<vmem>> -> memref<1x128x64xf32, #tpu.memory_space<vmem>>
        %dma_start3A_28 = tpu.memref_squeeze %dma_start3A_27 : memref<1x128x64xf32, #tpu.memory_space<vmem>> -> memref<128x64xf32, #tpu.memory_space<vmem>>
        %dma_start3A_29 = arith.constant 0 : i32
        %dma_start3A_30 = tpu.memref_slice %arg10[%dma_start3A, %dma_start3A_29] : memref<160x128xi32, #tpu.memory_space<vmem>> -> memref<1x128xi32, #tpu.memory_space<vmem>>
        %dma_start3A_31 = tpu.memref_squeeze %dma_start3A_30 : memref<1x128xi32, #tpu.memory_space<vmem>> -> memref<128xi32, #tpu.memory_space<vmem>>
        %dma_start3A_32 = arith.constant 0 : i32
        %dma_start3A_33 = arith.constant 0 : i32
        %dma_start3A_34 = tpu.memref_slice %arg9[%dma_start3A_32, %dma_start3A_33] : memref<10240x64xf32, #tpu.memory_space<hbm>> -> memref<10240x64xf32, #tpu.memory_space<hbm>>
        tpu.enqueue_indirect_dma source(%dma_start3A_34 : memref<10240x64xf32, #tpu.memory_space<hbm>>) target(%dma_start3A_28 : memref<128x64xf32, #tpu.memory_space<vmem>>) offsets(%dma_start3A_31 : memref<128xi32, #tpu.memory_space<vmem>>) semaphore(%arg14 : memref<!tpu.dma_semaphore, #tpu.memory_space<semaphore_mem>>)
        %dma_start3A_35 = arith.constant 1 : i32
        %dma_start3A_36 = arith.constant 1 : i32
        %dma_start3A_37 = arith.constant 0 : i32
        %dma_start3A_38 = arith.constant 0 : i32
        %dma_start3A_39 = tpu.memref_slice %arg12[%dma_start3A_36, %dma_start3A_37, %dma_start3A_38] : memref<4x128x64xf32, #tpu.memory_space<vmem>> -> memref<1x128x64xf32, #tpu.memory_space<vmem>>
        %dma_start3A_40 = tpu.memref_squeeze %dma_start3A_39 : memref<1x128x64xf32, #tpu.memory_space<vmem>> -> memref<128x64xf32, #tpu.memory_space<vmem>>
        %dma_start3A_41 = arith.constant 0 : i32
        %dma_start3A_42 = tpu.memref_slice %arg10[%dma_start3A_35, %dma_start3A_41] : memref<160x128xi32, #tpu.memory_space<vmem>> -> memref<1x128xi32, #tpu.memory_space<vmem>>
        %dma_start3A_43 = tpu.memref_squeeze %dma_start3A_42 : memref<1x128xi32, #tpu.memory_space<vmem>> -> memref<128xi32, #tpu.memory_space<vmem>>
        %dma_start3A_44 = arith.constant 0 : i32
        %dma_start3A_45 = arith.constant 0 : i32
        %dma_start3A_46 = tpu.memref_slice %arg9[%dma_start3A_44, %dma_start3A_45] : memref<10240x64xf32, #tpu.memory_space<hbm>> -> memref<10240x64xf32, #tpu.memory_space<hbm>>
        tpu.enqueue_indirect_dma source(%dma_start3A_46 : memref<10240x64xf32, #tpu.memory_space<hbm>>) target(%dma_start3A_40 : memref<128x64xf32, #tpu.memory_space<vmem>>) offsets(%dma_start3A_43 : memref<128xi32, #tpu.memory_space<vmem>>) semaphore(%arg14 : memref<!tpu.dma_semaphore, #tpu.memory_space<semaphore_mem>>)
        %scan3A_47 = arith.constant 0 : i32
        %scan3A_48 = arith.constant 0 : i32
        %rem3A = arith.constant 2 : i32
        %rem3A_49 = arith.remsi %scan3A_48, %rem3A : i32
        %mul3A_50 = arith.constant 2 : i32
        %mul3A_51 = arith.muli %rem3A_49, %mul3A_50 : i32
        %add3A = arith.constant 1 : i32
        %add3A_52 = arith.addi %scan3A_48, %add3A : i32
        %rem3A_53 = arith.constant 2 : i32
        %rem3A_54 = arith.remsi %add3A_52, %rem3A_53 : i32
        %mul3A_55 = arith.constant 2 : i32
        %mul3A_56 = arith.muli %rem3A_54, %mul3A_55 : i32
        %dma_wait3A = arith.constant 2 : i32
        %dma_wait3A_57 = arith.constant 0 : i32
        %dma_wait3A_58 = arith.constant 0 : i32
        %dma_wait3A_59 = tpu.memref_slice %arg12[%dma_wait3A, %dma_wait3A_57, %dma_wait3A_58] : memref<4x128x64xf32, #tpu.memory_space<vmem>> -> memref<1x128x64xf32, #tpu.memory_space<vmem>>
        %dma_wait3A_60 = tpu.memref_squeeze %dma_wait3A_59 : memref<1x128x64xf32, #tpu.memory_space<vmem>> -> memref<128x64xf32, #tpu.memory_space<vmem>>
        %dma_wait3A_61 = arith.constant 0 : i32
        %dma_wait3A_62 = arith.constant 0 : i32
        %dma_wait3A_63 = tpu.memref_slice %arg9[%dma_wait3A_61, %dma_wait3A_62] : memref<10240x64xf32, #tpu.memory_space<hbm>> -> memref<128x64xf32, #tpu.memory_space<hbm>>
        %dma_wait3A_64 = arith.constant 0 : i32
        %dma_wait3A_65 = arith.constant 0 : i32
        %dma_wait3A_66 = tpu.memref_slice %arg12[%dma_wait3A, %dma_wait3A_64, %dma_wait3A_65] : memref<4x128x64xf32, #tpu.memory_space<vmem>> -> memref<1x128x64xf32, #tpu.memory_space<vmem>>
        %dma_wait3A_67 = tpu.memref_squeeze %dma_wait3A_66 : memref<1x128x64xf32, #tpu.memory_space<vmem>> -> memref<128x64xf32, #tpu.memory_space<vmem>>
        %dma_wait3A_68 = arith.constant 0 : i32
        %dma_wait3A_69 = arith.constant 0 : i32
        %dma_wait3A_70 = tpu.memref_slice %arg9[%dma_wait3A_68, %dma_wait3A_69] : memref<10240x64xf32, #tpu.memory_space<hbm>> -> memref<128x64xf32, #tpu.memory_space<hbm>>
        tpu.wait_dma2 semaphore(%arg14 : memref<!tpu.dma_semaphore, #tpu.memory_space<semaphore_mem>>) src(%dma_wait3A_70 : memref<128x64xf32, #tpu.memory_space<hbm>>) dst(%dma_wait3A_67 : memref<128x64xf32, #tpu.memory_space<vmem>>)
        %dma_wait3A_71 = arith.constant 2 : i32
        %dma_wait3A_72 = arith.constant 0 : i32
        %dma_wait3A_73 = arith.constant 0 : i32
        %dma_wait3A_74 = tpu.memref_slice %arg12[%dma_wait3A_71, %dma_wait3A_72, %dma_wait3A_73] : memref<4x128x64xf32, #tpu.memory_space<vmem>> -> memref<1x128x64xf32, #tpu.memory_space<vmem>>
        %dma_wait3A_75 = tpu.memref_squeeze %dma_wait3A_74 : memref<1x128x64xf32, #tpu.memory_space<vmem>> -> memref<128x64xf32, #tpu.memory_space<vmem>>
        %dma_wait3A_76 = arith.constant 0 : i32
        %dma_wait3A_77 = arith.constant 0 : i32
        %dma_wait3A_78 = tpu.memref_slice %arg9[%dma_wait3A_76, %dma_wait3A_77] : memref<10240x64xf32, #tpu.memory_space<hbm>> -> memref<128x64xf32, #tpu.memory_space<hbm>>
        %dma_wait3A_79 = arith.constant 0 : i32
        %dma_wait3A_80 = arith.constant 0 : i32
        %dma_wait3A_81 = tpu.memref_slice %arg12[%dma_wait3A_71, %dma_wait3A_79, %dma_wait3A_80] : memref<4x128x64xf32, #tpu.memory_space<vmem>> -> memref<1x128x64xf32, #tpu.memory_space<vmem>>
        %dma_wait3A_82 = tpu.memref_squeeze %dma_wait3A_81 : memref<1x128x64xf32, #tpu.memory_space<vmem>> -> memref<128x64xf32, #tpu.memory_space<vmem>>
        %dma_wait3A_83 = arith.constant 0 : i32
        %dma_wait3A_84 = arith.constant 0 : i32
        %dma_wait3A_85 = tpu.memref_slice %arg9[%dma_wait3A_83, %dma_wait3A_84] : memref<10240x64xf32, #tpu.memory_space<hbm>> -> memref<128x64xf32, #tpu.memory_space<hbm>>
        tpu.wait_dma2 semaphore(%arg14 : memref<!tpu.dma_semaphore, #tpu.memory_space<semaphore_mem>>) src(%dma_wait3A_85 : memref<128x64xf32, #tpu.memory_space<hbm>>) dst(%dma_wait3A_82 : memref<128x64xf32, #tpu.memory_space<vmem>>)
        %ge3A = arith.constant 1 : i32
        %ge3A_86 = arith.cmpi sge, %scan3A_48, %ge3A : i32
        %convert_element_type3A_87 = arith.extui %ge3A_86 : i1 to i32
        %cond3A_88 = arith.constant 0 : i32
        %cond3A_89 = arith.cmpi ne, %convert_element_type3A_87, %cond3A_88 : i32
        scf.if %cond3A_89 {
          %dma_wait3A_209 = arith.constant 2 : i32
          %dma_wait3A_210 = arith.constant 0 : i32
          %dma_wait3A_211 = arith.constant 0 : i32
          %dma_wait3A_212 = tpu.memref_slice %arg12[%dma_wait3A_209, %dma_wait3A_210, %dma_wait3A_211] : memref<4x128x64xf32, #tpu.memory_space<vmem>> -> memref<1x128x64xf32, #tpu.memory_space<vmem>>
          %dma_wait3A_213 = tpu.memref_squeeze %dma_wait3A_212 : memref<1x128x64xf32, #tpu.memory_space<vmem>> -> memref<128x64xf32, #tpu.memory_space<vmem>>
          %dma_wait3A_214 = arith.constant 0 : i32
          %dma_wait3A_215 = arith.constant 0 : i32
          %dma_wait3A_216 = tpu.memref_slice %arg9[%dma_wait3A_214, %dma_wait3A_215] : memref<10240x64xf32, #tpu.memory_space<hbm>> -> memref<128x64xf32, #tpu.memory_space<hbm>>
          %dma_wait3A_217 = arith.constant 0 : i32
          %dma_wait3A_218 = arith.constant 0 : i32
          %dma_wait3A_219 = tpu.memref_slice %arg12[%dma_wait3A_209, %dma_wait3A_217, %dma_wait3A_218] : memref<4x128x64xf32, #tpu.memory_space<vmem>> -> memref<1x128x64xf32, #tpu.memory_space<vmem>>
          %dma_wait3A_220 = tpu.memref_squeeze %dma_wait3A_219 : memref<1x128x64xf32, #tpu.memory_space<vmem>> -> memref<128x64xf32, #tpu.memory_space<vmem>>
          %dma_wait3A_221 = arith.constant 0 : i32
          %dma_wait3A_222 = arith.constant 0 : i32
          %dma_wait3A_223 = tpu.memref_slice %arg9[%dma_wait3A_221, %dma_wait3A_222] : memref<10240x64xf32, #tpu.memory_space<hbm>> -> memref<128x64xf32, #tpu.memory_space<hbm>>
          tpu.wait_dma2 semaphore(%arg15 : memref<!tpu.dma_semaphore, #tpu.memory_space<semaphore_mem>>) src(%dma_wait3A_223 : memref<128x64xf32, #tpu.memory_space<hbm>>) dst(%dma_wait3A_220 : memref<128x64xf32, #tpu.memory_space<vmem>>)
          %dma_wait3A_224 = arith.constant 2 : i32
          %dma_wait3A_225 = arith.constant 0 : i32
          %dma_wait3A_226 = arith.constant 0 : i32
          %dma_wait3A_227 = tpu.memref_slice %arg12[%dma_wait3A_224, %dma_wait3A_225, %dma_wait3A_226] : memref<4x128x64xf32, #tpu.memory_space<vmem>> -> memref<1x128x64xf32, #tpu.memory_space<vmem>>
          %dma_wait3A_228 = tpu.memref_squeeze %dma_wait3A_227 : memref<1x128x64xf32, #tpu.memory_space<vmem>> -> memref<128x64xf32, #tpu.memory_space<vmem>>
          %dma_wait3A_229 = arith.constant 0 : i32
          %dma_wait3A_230 = arith.constant 0 : i32
          %dma_wait3A_231 = tpu.memref_slice %arg9[%dma_wait3A_229, %dma_wait3A_230] : memref<10240x64xf32, #tpu.memory_space<hbm>> -> memref<128x64xf32, #tpu.memory_space<hbm>>
          %dma_wait3A_232 = arith.constant 0 : i32
          %dma_wait3A_233 = arith.constant 0 : i32
          %dma_wait3A_234 = tpu.memref_slice %arg12[%dma_wait3A_224, %dma_wait3A_232, %dma_wait3A_233] : memref<4x128x64xf32, #tpu.memory_space<vmem>> -> memref<1x128x64xf32, #tpu.memory_space<vmem>>
          %dma_wait3A_235 = tpu.memref_squeeze %dma_wait3A_234 : memref<1x128x64xf32, #tpu.memory_space<vmem>> -> memref<128x64xf32, #tpu.memory_space<vmem>>
          %dma_wait3A_236 = arith.constant 0 : i32
          %dma_wait3A_237 = arith.constant 0 : i32
          %dma_wait3A_238 = tpu.memref_slice %arg9[%dma_wait3A_236, %dma_wait3A_237] : memref<10240x64xf32, #tpu.memory_space<hbm>> -> memref<128x64xf32, #tpu.memory_space<hbm>>
          tpu.wait_dma2 semaphore(%arg15 : memref<!tpu.dma_semaphore, #tpu.memory_space<semaphore_mem>>) src(%dma_wait3A_238 : memref<128x64xf32, #tpu.memory_space<hbm>>) dst(%dma_wait3A_235 : memref<128x64xf32, #tpu.memory_space<vmem>>)
        } else {
        }
        %add3A_90 = arith.constant 1 : i32
        %add3A_91 = arith.addi %scan3A_48, %add3A_90 : i32
        %lt3A = arith.constant 80 : i32
        %lt3A_92 = arith.cmpi slt, %add3A_91, %lt3A : i32
        %convert_element_type3A_93 = arith.extui %lt3A_92 : i1 to i32
        %cond3A_94 = arith.constant 0 : i32
        %cond3A_95 = arith.cmpi ne, %convert_element_type3A_93, %cond3A_94 : i32
        scf.if %cond3A_95 {
          %add3A_209 = arith.constant 1 : i32
          %add3A_210 = arith.addi %scan3A_48, %add3A_209 : i32
          %mul3A_211 = arith.constant 2 : i32
          %mul3A_212 = arith.muli %add3A_210, %mul3A_211 : i32
          %add3A_213 = arith.constant 0 : i32
          %add3A_214 = arith.addi %mul3A_212, %add3A_213 : i32
          %rem3A_215 = arith.constant 80 : i32
          %rem3A_216 = arith.remsi %add3A_214, %rem3A_215 : i32
          %mul3A_217 = arith.constant 128 : i32
          %mul3A_218 = arith.muli %rem3A_216, %mul3A_217 : i32
          %add3A_219 = arith.constant 0 : i32
          %add3A_220 = arith.addi %mul3A_56, %add3A_219 : i32
          %dma_start3A_221 = arith.constant 0 : i32
          %dma_start3A_222 = arith.constant 0 : i32
          %dma_start3A_223 = tpu.memref_slice %arg12[%add3A_220, %dma_start3A_221, %dma_start3A_222] : memref<4x128x64xf32, #tpu.memory_space<vmem>> -> memref<1x128x64xf32, #tpu.memory_space<vmem>>
          %dma_start3A_224 = tpu.memref_squeeze %dma_start3A_223 : memref<1x128x64xf32, #tpu.memory_space<vmem>> -> memref<128x64xf32, #tpu.memory_space<vmem>>
          %dma_start3A_225 = arith.constant 0 : i32
          %dma_start3A_226 = tpu.memref_slice %arg9[%mul3A_218, %dma_start3A_225] : memref<10240x64xf32, #tpu.memory_space<hbm>> -> memref<128x64xf32, #tpu.memory_space<hbm>>
          %dma_start3A_227 = arith.constant 0 : i32
          %dma_start3A_228 = arith.constant 0 : i32
          %dma_start3A_229 = tpu.memref_slice %arg12[%add3A_220, %dma_start3A_227, %dma_start3A_228] : memref<4x128x64xf32, #tpu.memory_space<vmem>> -> memref<1x128x64xf32, #tpu.memory_space<vmem>>
          %dma_start3A_230 = tpu.memref_squeeze %dma_start3A_229 : memref<1x128x64xf32, #tpu.memory_space<vmem>> -> memref<128x64xf32, #tpu.memory_space<vmem>>
          %dma_start3A_231 = arith.constant 0 : i32
          %dma_start3A_232 = tpu.memref_slice %arg9[%mul3A_218, %dma_start3A_231] : memref<10240x64xf32, #tpu.memory_space<hbm>> -> memref<128x64xf32, #tpu.memory_space<hbm>>
          tpu.enqueue_dma source(%dma_start3A_232 : memref<128x64xf32, #tpu.memory_space<hbm>>) target(%dma_start3A_230 : memref<128x64xf32, #tpu.memory_space<vmem>>) target_semaphore(%arg14 : memref<!tpu.dma_semaphore, #tpu.memory_space<semaphore_mem>>)
          %add3A_233 = arith.constant 1 : i32
          %add3A_234 = arith.addi %scan3A_48, %add3A_233 : i32
          %mul3A_235 = arith.constant 2 : i32
          %mul3A_236 = arith.muli %add3A_234, %mul3A_235 : i32
          %add3A_237 = arith.constant 1 : i32
          %add3A_238 = arith.addi %mul3A_236, %add3A_237 : i32
          %rem3A_239 = arith.constant 80 : i32
          %rem3A_240 = arith.remsi %add3A_238, %rem3A_239 : i32
          %mul3A_241 = arith.constant 128 : i32
          %mul3A_242 = arith.muli %rem3A_240, %mul3A_241 : i32
          %add3A_243 = arith.constant 1 : i32
          %add3A_244 = arith.addi %mul3A_56, %add3A_243 : i32
          %dma_start3A_245 = arith.constant 0 : i32
          %dma_start3A_246 = arith.constant 0 : i32
          %dma_start3A_247 = tpu.memref_slice %arg12[%add3A_244, %dma_start3A_245, %dma_start3A_246] : memref<4x128x64xf32, #tpu.memory_space<vmem>> -> memref<1x128x64xf32, #tpu.memory_space<vmem>>
          %dma_start3A_248 = tpu.memref_squeeze %dma_start3A_247 : memref<1x128x64xf32, #tpu.memory_space<vmem>> -> memref<128x64xf32, #tpu.memory_space<vmem>>
          %dma_start3A_249 = arith.constant 0 : i32
          %dma_start3A_250 = tpu.memref_slice %arg9[%mul3A_242, %dma_start3A_249] : memref<10240x64xf32, #tpu.memory_space<hbm>> -> memref<128x64xf32, #tpu.memory_space<hbm>>
          %dma_start3A_251 = arith.constant 0 : i32
          %dma_start3A_252 = arith.constant 0 : i32
          %dma_start3A_253 = tpu.memref_slice %arg12[%add3A_244, %dma_start3A_251, %dma_start3A_252] : memref<4x128x64xf32, #tpu.memory_space<vmem>> -> memref<1x128x64xf32, #tpu.memory_space<vmem>>
          %dma_start3A_254 = tpu.memref_squeeze %dma_start3A_253 : memref<1x128x64xf32, #tpu.memory_space<vmem>> -> memref<128x64xf32, #tpu.memory_space<vmem>>
          %dma_start3A_255 = arith.constant 0 : i32
          %dma_start3A_256 = tpu.memref_slice %arg9[%mul3A_242, %dma_start3A_255] : memref<10240x64xf32, #tpu.memory_space<hbm>> -> memref<128x64xf32, #tpu.memory_space<hbm>>
          tpu.enqueue_dma source(%dma_start3A_256 : memref<128x64xf32, #tpu.memory_space<hbm>>) target(%dma_start3A_254 : memref<128x64xf32, #tpu.memory_space<vmem>>) target_semaphore(%arg14 : memref<!tpu.dma_semaphore, #tpu.memory_space<semaphore_mem>>)
        } else {
        }
        %mul3A_96 = arith.constant 2 : i32
        %mul3A_97 = arith.muli %scan3A_48, %mul3A_96 : i32
        %add3A_98 = arith.constant 0 : i32
        %add3A_99 = arith.addi %mul3A_97, %add3A_98 : i32
        %add3A_100 = arith.constant 0 : i32
        %add3A_101 = arith.addi %mul3A_51, %add3A_100 : i32
        %rem3A_102 = arith.constant 80 : i32
        %rem3A_103 = arith.remsi %add3A_99, %rem3A_102 : i32
        %mul3A_104 = arith.constant 128 : i32
        %mul3A_105 = arith.muli %rem3A_103, %mul3A_104 : i32
        %dma_start3A_106 = arith.constant 0 : i32
        %dma_start3A_107 = arith.constant 0 : i32
        %dma_start3A_108 = tpu.memref_slice %arg12[%add3A_101, %dma_start3A_106, %dma_start3A_107] : memref<4x128x64xf32, #tpu.memory_space<vmem>> -> memref<1x128x64xf32, #tpu.memory_space<vmem>>
        %dma_start3A_109 = tpu.memref_squeeze %dma_start3A_108 : memref<1x128x64xf32, #tpu.memory_space<vmem>> -> memref<128x64xf32, #tpu.memory_space<vmem>>
        %dma_start3A_110 = arith.constant 0 : i32
        %dma_start3A_111 = tpu.memref_slice %arg13[%mul3A_105, %dma_start3A_110] : memref<10240x64xf32, #tpu.memory_space<vmem_shared>> -> memref<128x64xf32, #tpu.memory_space<vmem_shared>>
        %dma_start3A_112 = arith.constant 0 : i32
        %dma_start3A_113 = tpu.memref_slice %arg13[%mul3A_105, %dma_start3A_112] : memref<10240x64xf32, #tpu.memory_space<vmem_shared>> -> memref<128x64xf32, #tpu.memory_space<vmem_shared>>
        %dma_start3A_114 = arith.constant 0 : i32
        %dma_start3A_115 = arith.constant 0 : i32
        %dma_start3A_116 = tpu.memref_slice %arg12[%add3A_101, %dma_start3A_114, %dma_start3A_115] : memref<4x128x64xf32, #tpu.memory_space<vmem>> -> memref<1x128x64xf32, #tpu.memory_space<vmem>>
        %dma_start3A_117 = tpu.memref_squeeze %dma_start3A_116 : memref<1x128x64xf32, #tpu.memory_space<vmem>> -> memref<128x64xf32, #tpu.memory_space<vmem>>
        tpu.enqueue_dma source(%dma_start3A_117 : memref<128x64xf32, #tpu.memory_space<vmem>>) target(%dma_start3A_113 : memref<128x64xf32, #tpu.memory_space<vmem_shared>>) target_semaphore(%arg15 : memref<!tpu.dma_semaphore, #tpu.memory_space<semaphore_mem>>)
        %mul3A_118 = arith.constant 2 : i32
        %mul3A_119 = arith.muli %scan3A_48, %mul3A_118 : i32
        %add3A_120 = arith.constant 1 : i32
        %add3A_121 = arith.addi %mul3A_119, %add3A_120 : i32
        %add3A_122 = arith.constant 1 : i32
        %add3A_123 = arith.addi %mul3A_51, %add3A_122 : i32
        %rem3A_124 = arith.constant 80 : i32
        %rem3A_125 = arith.remsi %add3A_121, %rem3A_124 : i32
        %mul3A_126 = arith.constant 128 : i32
        %mul3A_127 = arith.muli %rem3A_125, %mul3A_126 : i32
        %dma_start3A_128 = arith.constant 0 : i32
        %dma_start3A_129 = arith.constant 0 : i32
        %dma_start3A_130 = tpu.memref_slice %arg12[%add3A_123, %dma_start3A_128, %dma_start3A_129] : memref<4x128x64xf32, #tpu.memory_space<vmem>> -> memref<1x128x64xf32, #tpu.memory_space<vmem>>
        %dma_start3A_131 = tpu.memref_squeeze %dma_start3A_130 : memref<1x128x64xf32, #tpu.memory_space<vmem>> -> memref<128x64xf32, #tpu.memory_space<vmem>>
        %dma_start3A_132 = arith.constant 0 : i32
        %dma_start3A_133 = tpu.memref_slice %arg13[%mul3A_127, %dma_start3A_132] : memref<10240x64xf32, #tpu.memory_space<vmem_shared>> -> memref<128x64xf32, #tpu.memory_space<vmem_shared>>
        %dma_start3A_134 = arith.constant 0 : i32
        %dma_start3A_135 = tpu.memref_slice %arg13[%mul3A_127, %dma_start3A_134] : memref<10240x64xf32, #tpu.memory_space<vmem_shared>> -> memref<128x64xf32, #tpu.memory_space<vmem_shared>>
        %dma_start3A_136 = arith.constant 0 : i32
        %dma_start3A_137 = arith.constant 0 : i32
        %dma_start3A_138 = tpu.memref_slice %arg12[%add3A_123, %dma_start3A_136, %dma_start3A_137] : memref<4x128x64xf32, #tpu.memory_space<vmem>> -> memref<1x128x64xf32, #tpu.memory_space<vmem>>
        %dma_start3A_139 = tpu.memref_squeeze %dma_start3A_138 : memref<1x128x64xf32, #tpu.memory_space<vmem>> -> memref<128x64xf32, #tpu.memory_space<vmem>>
        tpu.enqueue_dma source(%dma_start3A_139 : memref<128x64xf32, #tpu.memory_space<vmem>>) target(%dma_start3A_135 : memref<128x64xf32, #tpu.memory_space<vmem_shared>>) target_semaphore(%arg15 : memref<!tpu.dma_semaphore, #tpu.memory_space<semaphore_mem>>)
        %scan3A_140 = arith.constant 1 : i32
        %dma_wait3A_141 = arith.constant 2 : i32
        %dma_wait3A_142 = arith.constant 0 : i32
        %dma_wait3A_143 = arith.constant 0 : i32
        %dma_wait3A_144 = tpu.memref_slice %arg12[%dma_wait3A_141, %dma_wait3A_142, %dma_wait3A_143] : memref<4x128x64xf32, #tpu.memory_space<vmem>> -> memref<1x128x64xf32, #tpu.memory_space<vmem>>
        %dma_wait3A_145 = tpu.memref_squeeze %dma_wait3A_144 : memref<1x128x64xf32, #tpu.memory_space<vmem>> -> memref<128x64xf32, #tpu.memory_space<vmem>>
        %dma_wait3A_146 = arith.constant 0 : i32
        %dma_wait3A_147 = arith.constant 0 : i32
        %dma_wait3A_148 = tpu.memref_slice %arg9[%dma_wait3A_146, %dma_wait3A_147] : memref<10240x64xf32, #tpu.memory_space<hbm>> -> memref<128x64xf32, #tpu.memory_space<hbm>>
        %dma_wait3A_149 = arith.constant 0 : i32
        %dma_wait3A_150 = arith.constant 0 : i32
        %dma_wait3A_151 = tpu.memref_slice %arg12[%dma_wait3A_141, %dma_wait3A_149, %dma_wait3A_150] : memref<4x128x64xf32, #tpu.memory_space<vmem>> -> memref<1x128x64xf32, #tpu.memory_space<vmem>>
        %dma_wait3A_152 = tpu.memref_squeeze %dma_wait3A_151 : memref<1x128x64xf32, #tpu.memory_space<vmem>> -> memref<128x64xf32, #tpu.memory_space<vmem>>
        %dma_wait3A_153 = arith.constant 0 : i32
        %dma_wait3A_154 = arith.constant 0 : i32
        %dma_wait3A_155 = tpu.memref_slice %arg9[%dma_wait3A_153, %dma_wait3A_154] : memref<10240x64xf32, #tpu.memory_space<hbm>> -> memref<128x64xf32, #tpu.memory_space<hbm>>
        tpu.wait_dma2 semaphore(%arg15 : memref<!tpu.dma_semaphore, #tpu.memory_space<semaphore_mem>>) src(%dma_wait3A_155 : memref<128x64xf32, #tpu.memory_space<hbm>>) dst(%dma_wait3A_152 : memref<128x64xf32, #tpu.memory_space<vmem>>)
        %dma_wait3A_156 = arith.constant 2 : i32
        %dma_wait3A_157 = arith.constant 0 : i32
        %dma_wait3A_158 = arith.constant 0 : i32
        %dma_wait3A_159 = tpu.memref_slice %arg12[%dma_wait3A_156, %dma_wait3A_157, %dma_wait3A_158] : memref<4x128x64xf32, #tpu.memory_space<vmem>> -> memref<1x128x64xf32, #tpu.memory_space<vmem>>
        %dma_wait3A_160 = tpu.memref_squeeze %dma_wait3A_159 : memref<1x128x64xf32, #tpu.memory_space<vmem>> -> memref<128x64xf32, #tpu.memory_space<vmem>>
        %dma_wait3A_161 = arith.constant 0 : i32
        %dma_wait3A_162 = arith.constant 0 : i32
        %dma_wait3A_163 = tpu.memref_slice %arg9[%dma_wait3A_161, %dma_wait3A_162] : memref<10240x64xf32, #tpu.memory_space<hbm>> -> memref<128x64xf32, #tpu.memory_space<hbm>>
        %dma_wait3A_164 = arith.constant 0 : i32
        %dma_wait3A_165 = arith.constant 0 : i32
        %dma_wait3A_166 = tpu.memref_slice %arg12[%dma_wait3A_156, %dma_wait3A_164, %dma_wait3A_165] : memref<4x128x64xf32, #tpu.memory_space<vmem>> -> memref<1x128x64xf32, #tpu.memory_space<vmem>>
        %dma_wait3A_167 = tpu.memref_squeeze %dma_wait3A_166 : memref<1x128x64xf32, #tpu.memory_space<vmem>> -> memref<128x64xf32, #tpu.memory_space<vmem>>
        %dma_wait3A_168 = arith.constant 0 : i32
        %dma_wait3A_169 = arith.constant 0 : i32
        %dma_wait3A_170 = tpu.memref_slice %arg9[%dma_wait3A_168, %dma_wait3A_169] : memref<10240x64xf32, #tpu.memory_space<hbm>> -> memref<128x64xf32, #tpu.memory_space<hbm>>
        tpu.wait_dma2 semaphore(%arg15 : memref<!tpu.dma_semaphore, #tpu.memory_space<semaphore_mem>>) src(%dma_wait3A_170 : memref<128x64xf32, #tpu.memory_space<hbm>>) dst(%dma_wait3A_167 : memref<128x64xf32, #tpu.memory_space<vmem>>)
        %dma_wait3A_171 = arith.constant 2 : i32
        %dma_wait3A_172 = arith.constant 0 : i32
        %dma_wait3A_173 = arith.constant 0 : i32
        %dma_wait3A_174 = tpu.memref_slice %arg12[%dma_wait3A_171, %dma_wait3A_172, %dma_wait3A_173] : memref<4x128x64xf32, #tpu.memory_space<vmem>> -> memref<1x128x64xf32, #tpu.memory_space<vmem>>
        %dma_wait3A_175 = tpu.memref_squeeze %dma_wait3A_174 : memref<1x128x64xf32, #tpu.memory_space<vmem>> -> memref<128x64xf32, #tpu.memory_space<vmem>>
        %dma_wait3A_176 = arith.constant 0 : i32
        %dma_wait3A_177 = arith.constant 0 : i32
        %dma_wait3A_178 = tpu.memref_slice %arg9[%dma_wait3A_176, %dma_wait3A_177] : memref<10240x64xf32, #tpu.memory_space<hbm>> -> memref<128x64xf32, #tpu.memory_space<hbm>>
        %dma_wait3A_179 = arith.constant 0 : i32
        %dma_wait3A_180 = arith.constant 0 : i32
        %dma_wait3A_181 = tpu.memref_slice %arg12[%dma_wait3A_171, %dma_wait3A_179, %dma_wait3A_180] : memref<4x128x64xf32, #tpu.memory_space<vmem>> -> memref<1x128x64xf32, #tpu.memory_space<vmem>>
        %dma_wait3A_182 = tpu.memref_squeeze %dma_wait3A_181 : memref<1x128x64xf32, #tpu.memory_space<vmem>> -> memref<128x64xf32, #tpu.memory_space<vmem>>
        %dma_wait3A_183 = arith.constant 0 : i32
        %dma_wait3A_184 = arith.constant 0 : i32
        %dma_wait3A_185 = tpu.memref_slice %arg9[%dma_wait3A_183, %dma_wait3A_184] : memref<10240x64xf32, #tpu.memory_space<hbm>> -> memref<128x64xf32, #tpu.memory_space<hbm>>
        tpu.wait_dma2 semaphore(%arg14 : memref<!tpu.dma_semaphore, #tpu.memory_space<semaphore_mem>>) src(%dma_wait3A_185 : memref<128x64xf32, #tpu.memory_space<hbm>>) dst(%dma_wait3A_182 : memref<128x64xf32, #tpu.memory_space<vmem>>)
        %dma_wait3A_186 = arith.constant 2 : i32
        %dma_wait3A_187 = arith.constant 0 : i32
        %dma_wait3A_188 = arith.constant 0 : i32
        %dma_wait3A_189 = tpu.memref_slice %arg12[%dma_wait3A_186, %dma_wait3A_187, %dma_wait3A_188] : memref<4x128x64xf32, #tpu.memory_space<vmem>> -> memref<1x128x64xf32, #tpu.memory_space<vmem>>
        %dma_wait3A_190 = tpu.memref_squeeze %dma_wait3A_189 : memref<1x128x64xf32, #tpu.memory_space<vmem>> -> memref<128x64xf32, #tpu.memory_space<vmem>>
        %dma_wait3A_191 = arith.constant 0 : i32
        %dma_wait3A_192 = arith.constant 0 : i32
        %dma_wait3A_193 = tpu.memref_slice %arg9[%dma_wait3A_191, %dma_wait3A_192] : memref<10240x64xf32, #tpu.memory_space<hbm>> -> memref<128x64xf32, #tpu.memory_space<hbm>>
        %dma_wait3A_194 = arith.constant 0 : i32
        %dma_wait3A_195 = arith.constant 0 : i32
        %dma_wait3A_196 = tpu.memref_slice %arg12[%dma_wait3A_186, %dma_wait3A_194, %dma_wait3A_195] : memref<4x128x64xf32, #tpu.memory_space<vmem>> -> memref<1x128x64xf32, #tpu.memory_space<vmem>>
        %dma_wait3A_197 = tpu.memref_squeeze %dma_wait3A_196 : memref<1x128x64xf32, #tpu.memory_space<vmem>> -> memref<128x64xf32, #tpu.memory_space<vmem>>
        %dma_wait3A_198 = arith.constant 0 : i32
        %dma_wait3A_199 = arith.constant 0 : i32
        %dma_wait3A_200 = tpu.memref_slice %arg9[%dma_wait3A_198, %dma_wait3A_199] : memref<10240x64xf32, #tpu.memory_space<hbm>> -> memref<128x64xf32, #tpu.memory_space<hbm>>
        tpu.wait_dma2 semaphore(%arg14 : memref<!tpu.dma_semaphore, #tpu.memory_space<semaphore_mem>>) src(%dma_wait3A_200 : memref<128x64xf32, #tpu.memory_space<hbm>>) dst(%dma_wait3A_197 : memref<128x64xf32, #tpu.memory_space<vmem>>)
        %barrier3A_201 = arith.constant 0 : index
        tpu.barrier barrier_id(%barrier3A_201)
        "tpu.trace_stop"() : () -> ()
        "tpu.trace_start"() <{level = 10 : i32, message = "phaseB"}> : () -> ()
        %scan3A_202 = arith.constant 0 : i32
        %scan3A_203 = arith.constant 0 : i32
        %scan3A_204 = arith.constant 5 : i32
        %scan3A_205 = arith.addi %scan3A_203, %scan3A_204 : i32
        %scan3A_206 = arith.constant 1 : i32
        scf.for %scan3A_209 = %scan3A_203 to %scan3A_205 step %scan3A_206  : i32 {
          %mul3A_210 = arith.constant 128 : i32
          %mul3A_211 = arith.muli %scan3A_209, %mul3A_210 : i32
          %add3A_212 = arith.addi %mul3A_7, %mul3A_211 : i32
          "tpu.region"() ({
            %run_scoped3A = tpu.sem_alloc : memref<!tpu.dma_semaphore, #tpu.memory_space<semaphore_mem>>
            %dma_start3A_219 = arith.constant 0 : i32
            %dma_start3A_220 = arith.constant 0 : i32
            %dma_start3A_221 = tpu.memref_slice %arg12[%scan3A_16, %dma_start3A_219, %dma_start3A_220] : memref<4x128x64xf32, #tpu.memory_space<vmem>> -> memref<1x128x64xf32, #tpu.memory_space<vmem>>
            %dma_start3A_222 = tpu.memref_squeeze %dma_start3A_221 : memref<1x128x64xf32, #tpu.memory_space<vmem>> -> memref<128x64xf32, #tpu.memory_space<vmem>>
            %dma_start3A_223 = arith.constant 0 : i32
            %dma_start3A_224 = tpu.memref_slice %arg13[%add3A_212, %dma_start3A_223] : memref<10240x64xf32, #tpu.memory_space<vmem_shared>> -> memref<128x64xf32, #tpu.memory_space<vmem_shared>>
            %dma_start3A_225 = arith.constant 0 : i32
            %dma_start3A_226 = arith.constant 0 : i32
            %dma_start3A_227 = tpu.memref_slice %arg12[%scan3A_16, %dma_start3A_225, %dma_start3A_226] : memref<4x128x64xf32, #tpu.memory_space<vmem>> -> memref<1x128x64xf32, #tpu.memory_space<vmem>>
            %dma_start3A_228 = tpu.memref_squeeze %dma_start3A_227 : memref<1x128x64xf32, #tpu.memory_space<vmem>> -> memref<128x64xf32, #tpu.memory_space<vmem>>
            %dma_start3A_229 = arith.constant 0 : i32
            %dma_start3A_230 = tpu.memref_slice %arg13[%add3A_212, %dma_start3A_229] : memref<10240x64xf32, #tpu.memory_space<vmem_shared>> -> memref<128x64xf32, #tpu.memory_space<vmem_shared>>
            tpu.enqueue_dma source(%dma_start3A_230 : memref<128x64xf32, #tpu.memory_space<vmem_shared>>) target(%dma_start3A_228 : memref<128x64xf32, #tpu.memory_space<vmem>>) target_semaphore(%run_scoped3A : memref<!tpu.dma_semaphore, #tpu.memory_space<semaphore_mem>>)
            %dma_wait3A_231 = arith.constant 0 : i32
            %dma_wait3A_232 = arith.constant 0 : i32
            %dma_wait3A_233 = tpu.memref_slice %arg12[%scan3A_16, %dma_wait3A_231, %dma_wait3A_232] : memref<4x128x64xf32, #tpu.memory_space<vmem>> -> memref<1x128x64xf32, #tpu.memory_space<vmem>>
            %dma_wait3A_234 = tpu.memref_squeeze %dma_wait3A_233 : memref<1x128x64xf32, #tpu.memory_space<vmem>> -> memref<128x64xf32, #tpu.memory_space<vmem>>
            %dma_wait3A_235 = arith.constant 0 : i32
            %dma_wait3A_236 = tpu.memref_slice %arg13[%add3A_212, %dma_wait3A_235] : memref<10240x64xf32, #tpu.memory_space<vmem_shared>> -> memref<128x64xf32, #tpu.memory_space<vmem_shared>>
            %dma_wait3A_237 = arith.constant 0 : i32
            %dma_wait3A_238 = arith.constant 0 : i32
            %dma_wait3A_239 = tpu.memref_slice %arg12[%scan3A_16, %dma_wait3A_237, %dma_wait3A_238] : memref<4x128x64xf32, #tpu.memory_space<vmem>> -> memref<1x128x64xf32, #tpu.memory_space<vmem>>
            %dma_wait3A_240 = tpu.memref_squeeze %dma_wait3A_239 : memref<1x128x64xf32, #tpu.memory_space<vmem>> -> memref<128x64xf32, #tpu.memory_space<vmem>>
            %dma_wait3A_241 = arith.constant 0 : i32
            %dma_wait3A_242 = tpu.memref_slice %arg13[%add3A_212, %dma_wait3A_241] : memref<10240x64xf32, #tpu.memory_space<vmem_shared>> -> memref<128x64xf32, #tpu.memory_space<vmem_shared>>
            tpu.wait_dma2 semaphore(%run_scoped3A : memref<!tpu.dma_semaphore, #tpu.memory_space<semaphore_mem>>) src(%dma_wait3A_242 : memref<128x64xf32, #tpu.memory_space<vmem_shared>>) dst(%dma_wait3A_240 : memref<128x64xf32, #tpu.memory_space<vmem>>)
            tpu.yield
          }) : () -> ()
          "tpu.region"() ({
            %run_scoped3A = tpu.sem_alloc : memref<!tpu.dma_semaphore, #tpu.memory_space<semaphore_mem>>
            %dma_start3A_219 = arith.constant 0 : i32
            %dma_start3A_220 = arith.constant 0 : i32
            %dma_start3A_221 = tpu.memref_slice %arg12[%scan3A_17, %dma_start3A_219, %dma_start3A_220] : memref<4x128x64xf32, #tpu.memory_space<vmem>> -> memref<1x128x64xf32, #tpu.memory_space<vmem>>
            %dma_start3A_222 = tpu.memref_squeeze %dma_start3A_221 : memref<1x128x64xf32, #tpu.memory_space<vmem>> -> memref<128x64xf32, #tpu.memory_space<vmem>>
            %dma_start3A_223 = arith.constant 0 : i32
            %dma_start3A_224 = tpu.memref_slice %arg7[%add3A_212, %dma_start3A_223] : memref<10240x64xf32, #tpu.memory_space<hbm>> -> memref<128x64xf32, #tpu.memory_space<hbm>>
            %dma_start3A_225 = arith.constant 0 : i32
            %dma_start3A_226 = arith.constant 0 : i32
            %dma_start3A_227 = tpu.memref_slice %arg12[%scan3A_17, %dma_start3A_225, %dma_start3A_226] : memref<4x128x64xf32, #tpu.memory_space<vmem>> -> memref<1x128x64xf32, #tpu.memory_space<vmem>>
            %dma_start3A_228 = tpu.memref_squeeze %dma_start3A_227 : memref<1x128x64xf32, #tpu.memory_space<vmem>> -> memref<128x64xf32, #tpu.memory_space<vmem>>
            %dma_start3A_229 = arith.constant 0 : i32
            %dma_start3A_230 = tpu.memref_slice %arg7[%add3A_212, %dma_start3A_229] : memref<10240x64xf32, #tpu.memory_space<hbm>> -> memref<128x64xf32, #tpu.memory_space<hbm>>
            tpu.enqueue_dma source(%dma_start3A_230 : memref<128x64xf32, #tpu.memory_space<hbm>>) target(%dma_start3A_228 : memref<128x64xf32, #tpu.memory_space<vmem>>) target_semaphore(%run_scoped3A : memref<!tpu.dma_semaphore, #tpu.memory_space<semaphore_mem>>)
            %dma_wait3A_231 = arith.constant 0 : i32
            %dma_wait3A_232 = arith.constant 0 : i32
            %dma_wait3A_233 = tpu.memref_slice %arg12[%scan3A_17, %dma_wait3A_231, %dma_wait3A_232] : memref<4x128x64xf32, #tpu.memory_space<vmem>> -> memref<1x128x64xf32, #tpu.memory_space<vmem>>
            %dma_wait3A_234 = tpu.memref_squeeze %dma_wait3A_233 : memref<1x128x64xf32, #tpu.memory_space<vmem>> -> memref<128x64xf32, #tpu.memory_space<vmem>>
            %dma_wait3A_235 = arith.constant 0 : i32
            %dma_wait3A_236 = tpu.memref_slice %arg7[%add3A_212, %dma_wait3A_235] : memref<10240x64xf32, #tpu.memory_space<hbm>> -> memref<128x64xf32, #tpu.memory_space<hbm>>
            %dma_wait3A_237 = arith.constant 0 : i32
            %dma_wait3A_238 = arith.constant 0 : i32
            %dma_wait3A_239 = tpu.memref_slice %arg12[%scan3A_17, %dma_wait3A_237, %dma_wait3A_238] : memref<4x128x64xf32, #tpu.memory_space<vmem>> -> memref<1x128x64xf32, #tpu.memory_space<vmem>>
            %dma_wait3A_240 = tpu.memref_squeeze %dma_wait3A_239 : memref<1x128x64xf32, #tpu.memory_space<vmem>> -> memref<128x64xf32, #tpu.memory_space<vmem>>
            %dma_wait3A_241 = arith.constant 0 : i32
            %dma_wait3A_242 = tpu.memref_slice %arg7[%add3A_212, %dma_wait3A_241] : memref<10240x64xf32, #tpu.memory_space<hbm>> -> memref<128x64xf32, #tpu.memory_space<hbm>>
            tpu.wait_dma2 semaphore(%run_scoped3A : memref<!tpu.dma_semaphore, #tpu.memory_space<semaphore_mem>>) src(%dma_wait3A_242 : memref<128x64xf32, #tpu.memory_space<hbm>>) dst(%dma_wait3A_240 : memref<128x64xf32, #tpu.memory_space<vmem>>)
            tpu.yield
          }) : () -> ()
          %scan3A_213 = arith.constant 0 : i32
          %scan3A_214 = arith.constant 0 : i32
          %scan3A_215 = arith.constant 128 : i32
          %scan3A_216 = arith.addi %scan3A_214, %scan3A_215 : i32
          %scan3A_217 = arith.constant 1 : i32
          scf.for %scan3A_219 = %scan3A_214 to %scan3A_216 step %scan3A_217  : i32 {
            %get3A = arith.constant 0 : i32
            %get3A_220 = arith.constant 0 : i32
            %get3A_221 = tpu.memref_slice %arg12[%scan3A_16, %get3A, %get3A_220] : memref<4x128x64xf32, #tpu.memory_space<vmem>> -> memref<1x128x64xf32, #tpu.memory_space<vmem>>
            %get3A_222 = tpu.memref_squeeze %get3A_221 : memref<1x128x64xf32, #tpu.memory_space<vmem>> -> memref<128x64xf32, #tpu.memory_space<vmem>>
            %get3A_223 = arith.index_cast %scan3A_219 : i32 to index
            %get3A_224 = arith.constant 0 : index
            %get3A_225 = tpu.vector_load %get3A_222[%get3A_223, %get3A_224] {strides = array<i32>} : memref<128x64xf32, #tpu.memory_space<vmem>>, vector<1x16xf32>,
            %get3A_226 = vector.shape_cast %get3A_225 : vector<1x16xf32> to vector<16xf32>
            %mul3A_227 = arith.constant 0.899999976 : f32
            %mul3A_228 = vector.broadcast %mul3A_227 : f32 to vector<16xf32>
            %mul3A_229 = arith.mulf %get3A_226, %mul3A_228 : vector<16xf32>
            %swap3A = arith.constant 0 : i32
            %swap3A_230 = arith.constant 0 : i32
            %swap3A_231 = tpu.memref_slice %arg12[%scan3A_16, %swap3A, %swap3A_230] : memref<4x128x64xf32, #tpu.memory_space<vmem>> -> memref<1x128x64xf32, #tpu.memory_space<vmem>>
            %swap3A_232 = tpu.memref_squeeze %swap3A_231 : memref<1x128x64xf32, #tpu.memory_space<vmem>> -> memref<128x64xf32, #tpu.memory_space<vmem>>
            %swap3A_233 = arith.index_cast %scan3A_219 : i32 to index
            %swap3A_234 = arith.constant 0 : index
            %swap3A_235 = tpu.vector_load %swap3A_232[%swap3A_233, %swap3A_234] {strides = array<i32>} : memref<128x64xf32, #tpu.memory_space<vmem>>, vector<1x16xf32>,
            %swap3A_236 = vector.shape_cast %swap3A_235 : vector<1x16xf32> to vector<16xf32>
            %swap3A_237 = vector.shape_cast %mul3A_229 : vector<16xf32> to vector<1x16xf32>
            tpu.vector_store %swap3A_232[%swap3A_233, %swap3A_234], %swap3A_237 {strides = array<i32>} : memref<128x64xf32, #tpu.memory_space<vmem>>, vector<1x16xf32>,
            %get3A_238 = arith.constant 0 : i32
            %get3A_239 = arith.constant 0 : i32
            %get3A_240 = tpu.memref_slice %arg12[%scan3A_16, %get3A_238, %get3A_239] : memref<4x128x64xf32, #tpu.memory_space<vmem>> -> memref<1x128x64xf32, #tpu.memory_space<vmem>>
            %get3A_241 = tpu.memref_squeeze %get3A_240 : memref<1x128x64xf32, #tpu.memory_space<vmem>> -> memref<128x64xf32, #tpu.memory_space<vmem>>
            %get3A_242 = arith.index_cast %scan3A_219 : i32 to index
            %get3A_243 = arith.constant 16 : index
            %get3A_244 = tpu.vector_load %get3A_241[%get3A_242, %get3A_243] {strides = array<i32>} : memref<128x64xf32, #tpu.memory_space<vmem>>, vector<1x16xf32>,
            %get3A_245 = vector.shape_cast %get3A_244 : vector<1x16xf32> to vector<16xf32>
            %mul3A_246 = arith.constant 0.899999976 : f32
            %mul3A_247 = vector.broadcast %mul3A_246 : f32 to vector<16xf32>
            %mul3A_248 = arith.mulf %get3A_245, %mul3A_247 : vector<16xf32>
            %swap3A_249 = arith.constant 0 : i32
            %swap3A_250 = arith.constant 0 : i32
            %swap3A_251 = tpu.memref_slice %arg12[%scan3A_16, %swap3A_249, %swap3A_250] : memref<4x128x64xf32, #tpu.memory_space<vmem>> -> memref<1x128x64xf32, #tpu.memory_space<vmem>>
            %swap3A_252 = tpu.memref_squeeze %swap3A_251 : memref<1x128x64xf32, #tpu.memory_space<vmem>> -> memref<128x64xf32, #tpu.memory_space<vmem>>
            %swap3A_253 = arith.index_cast %scan3A_219 : i32 to index
            %swap3A_254 = arith.constant 16 : index
            %swap3A_255 = tpu.vector_load %swap3A_252[%swap3A_253, %swap3A_254] {strides = array<i32>} : memref<128x64xf32, #tpu.memory_space<vmem>>, vector<1x16xf32>,
            %swap3A_256 = vector.shape_cast %swap3A_255 : vector<1x16xf32> to vector<16xf32>
            %swap3A_257 = vector.shape_cast %mul3A_248 : vector<16xf32> to vector<1x16xf32>
            tpu.vector_store %swap3A_252[%swap3A_253, %swap3A_254], %swap3A_257 {strides = array<i32>} : memref<128x64xf32, #tpu.memory_space<vmem>>, vector<1x16xf32>,
            %get3A_258 = arith.constant 0 : i32
            %get3A_259 = arith.constant 0 : i32
            %get3A_260 = tpu.memref_slice %arg12[%scan3A_16, %get3A_258, %get3A_259] : memref<4x128x64xf32, #tpu.memory_space<vmem>> -> memref<1x128x64xf32, #tpu.memory_space<vmem>>
            %get3A_261 = tpu.memref_squeeze %get3A_260 : memref<1x128x64xf32, #tpu.memory_space<vmem>> -> memref<128x64xf32, #tpu.memory_space<vmem>>
            %get3A_262 = arith.index_cast %scan3A_219 : i32 to index
            %get3A_263 = arith.constant 32 : index
            %get3A_264 = tpu.vector_load %get3A_261[%get3A_262, %get3A_263] {strides = array<i32>} : memref<128x64xf32, #tpu.memory_space<vmem>>, vector<1x16xf32>,
            %get3A_265 = vector.shape_cast %get3A_264 : vector<1x16xf32> to vector<16xf32>
            %mul3A_266 = arith.constant 0.899999976 : f32
            %mul3A_267 = vector.broadcast %mul3A_266 : f32 to vector<16xf32>
            %mul3A_268 = arith.mulf %get3A_265, %mul3A_267 : vector<16xf32>
            %swap3A_269 = arith.constant 0 : i32
            %swap3A_270 = arith.constant 0 : i32
            %swap3A_271 = tpu.memref_slice %arg12[%scan3A_16, %swap3A_269, %swap3A_270] : memref<4x128x64xf32, #tpu.memory_space<vmem>> -> memref<1x128x64xf32, #tpu.memory_space<vmem>>
            %swap3A_272 = tpu.memref_squeeze %swap3A_271 : memref<1x128x64xf32, #tpu.memory_space<vmem>> -> memref<128x64xf32, #tpu.memory_space<vmem>>
            %swap3A_273 = arith.index_cast %scan3A_219 : i32 to index
            %swap3A_274 = arith.constant 32 : index
            %swap3A_275 = tpu.vector_load %swap3A_272[%swap3A_273, %swap3A_274] {strides = array<i32>} : memref<128x64xf32, #tpu.memory_space<vmem>>, vector<1x16xf32>,
            %swap3A_276 = vector.shape_cast %swap3A_275 : vector<1x16xf32> to vector<16xf32>
            %swap3A_277 = vector.shape_cast %mul3A_268 : vector<16xf32> to vector<1x16xf32>
            tpu.vector_store %swap3A_272[%swap3A_273, %swap3A_274], %swap3A_277 {strides = array<i32>} : memref<128x64xf32, #tpu.memory_space<vmem>>, vector<1x16xf32>,
            %get3A_278 = arith.constant 0 : i32
            %get3A_279 = arith.constant 0 : i32
            %get3A_280 = tpu.memref_slice %arg12[%scan3A_16, %get3A_278, %get3A_279] : memref<4x128x64xf32, #tpu.memory_space<vmem>> -> memref<1x128x64xf32, #tpu.memory_space<vmem>>
            %get3A_281 = tpu.memref_squeeze %get3A_280 : memref<1x128x64xf32, #tpu.memory_space<vmem>> -> memref<128x64xf32, #tpu.memory_space<vmem>>
            %get3A_282 = arith.index_cast %scan3A_219 : i32 to index
            %get3A_283 = arith.constant 48 : index
            %get3A_284 = tpu.vector_load %get3A_281[%get3A_282, %get3A_283] {strides = array<i32>} : memref<128x64xf32, #tpu.memory_space<vmem>>, vector<1x16xf32>,
            %get3A_285 = vector.shape_cast %get3A_284 : vector<1x16xf32> to vector<16xf32>
            %mul3A_286 = arith.constant 0.899999976 : f32
            %mul3A_287 = vector.broadcast %mul3A_286 : f32 to vector<16xf32>
            %mul3A_288 = arith.mulf %get3A_285, %mul3A_287 : vector<16xf32>
            %swap3A_289 = arith.constant 0 : i32
            %swap3A_290 = arith.constant 0 : i32
            %swap3A_291 = tpu.memref_slice %arg12[%scan3A_16, %swap3A_289, %swap3A_290] : memref<4x128x64xf32, #tpu.memory_space<vmem>> -> memref<1x128x64xf32, #tpu.memory_space<vmem>>
            %swap3A_292 = tpu.memref_squeeze %swap3A_291 : memref<1x128x64xf32, #tpu.memory_space<vmem>> -> memref<128x64xf32, #tpu.memory_space<vmem>>
            %swap3A_293 = arith.index_cast %scan3A_219 : i32 to index
            %swap3A_294 = arith.constant 48 : index
            %swap3A_295 = tpu.vector_load %swap3A_292[%swap3A_293, %swap3A_294] {strides = array<i32>} : memref<128x64xf32, #tpu.memory_space<vmem>>, vector<1x16xf32>,
            %swap3A_296 = vector.shape_cast %swap3A_295 : vector<1x16xf32> to vector<16xf32>
            %swap3A_297 = vector.shape_cast %mul3A_288 : vector<16xf32> to vector<1x16xf32>
            tpu.vector_store %swap3A_292[%swap3A_293, %swap3A_294], %swap3A_297 {strides = array<i32>} : memref<128x64xf32, #tpu.memory_space<vmem>>, vector<1x16xf32>,
          }
          %scan3A_218 = arith.constant 128 : i32
          "tpu.region"() ({
            %run_scoped3A = tpu.sem_alloc : memref<!tpu.dma_semaphore, #tpu.memory_space<semaphore_mem>>
            %dma_start3A_219 = arith.constant 0 : i32
            %dma_start3A_220 = arith.constant 0 : i32
            %dma_start3A_221 = tpu.memref_slice %arg12[%scan3A_16, %dma_start3A_219, %dma_start3A_220] : memref<4x128x64xf32, #tpu.memory_space<vmem>> -> memref<1x128x64xf32, #tpu.memory_space<vmem>>
            %dma_start3A_222 = tpu.memref_squeeze %dma_start3A_221 : memref<1x128x64xf32, #tpu.memory_space<vmem>> -> memref<128x64xf32, #tpu.memory_space<vmem>>
            %dma_start3A_223 = arith.constant 0 : i32
            %dma_start3A_224 = tpu.memref_slice %arg9[%add3A_212, %dma_start3A_223] : memref<10240x64xf32, #tpu.memory_space<hbm>> -> memref<128x64xf32, #tpu.memory_space<hbm>>
            %dma_start3A_225 = arith.constant 0 : i32
            %dma_start3A_226 = tpu.memref_slice %arg9[%add3A_212, %dma_start3A_225] : memref<10240x64xf32, #tpu.memory_space<hbm>> -> memref<128x64xf32, #tpu.memory_space<hbm>>
            %dma_start3A_227 = arith.constant 0 : i32
            %dma_start3A_228 = arith.constant 0 : i32
            %dma_start3A_229 = tpu.memref_slice %arg12[%scan3A_16, %dma_start3A_227, %dma_start3A_228] : memref<4x128x64xf32, #tpu.memory_space<vmem>> -> memref<1x128x64xf32, #tpu.memory_space<vmem>>
            %dma_start3A_230 = tpu.memref_squeeze %dma_start3A_229 : memref<1x128x64xf32, #tpu.memory_space<vmem>> -> memref<128x64xf32, #tpu.memory_space<vmem>>
            tpu.enqueue_dma source(%dma_start3A_230 : memref<128x64xf32, #tpu.memory_space<vmem>>) target(%dma_start3A_226 : memref<128x64xf32, #tpu.memory_space<hbm>>) target_semaphore(%run_scoped3A : memref<!tpu.dma_semaphore, #tpu.memory_space<semaphore_mem>>)
            %dma_wait3A_231 = arith.constant 0 : i32
            %dma_wait3A_232 = arith.constant 0 : i32
            %dma_wait3A_233 = tpu.memref_slice %arg12[%scan3A_16, %dma_wait3A_231, %dma_wait3A_232] : memref<4x128x64xf32, #tpu.memory_space<vmem>> -> memref<1x128x64xf32, #tpu.memory_space<vmem>>
            %dma_wait3A_234 = tpu.memref_squeeze %dma_wait3A_233 : memref<1x128x64xf32, #tpu.memory_space<vmem>> -> memref<128x64xf32, #tpu.memory_space<vmem>>
            %dma_wait3A_235 = arith.constant 0 : i32
            %dma_wait3A_236 = tpu.memref_slice %arg9[%add3A_212, %dma_wait3A_235] : memref<10240x64xf32, #tpu.memory_space<hbm>> -> memref<128x64xf32, #tpu.memory_space<hbm>>
            %dma_wait3A_237 = arith.constant 0 : i32
            %dma_wait3A_238 = tpu.memref_slice %arg9[%add3A_212, %dma_wait3A_237] : memref<10240x64xf32, #tpu.memory_space<hbm>> -> memref<128x64xf32, #tpu.memory_space<hbm>>
            %dma_wait3A_239 = arith.constant 0 : i32
            %dma_wait3A_240 = arith.constant 0 : i32
            %dma_wait3A_241 = tpu.memref_slice %arg12[%scan3A_16, %dma_wait3A_239, %dma_wait3A_240] : memref<4x128x64xf32, #tpu.memory_space<vmem>> -> memref<1x128x64xf32, #tpu.memory_space<vmem>>
            %dma_wait3A_242 = tpu.memref_squeeze %dma_wait3A_241 : memref<1x128x64xf32, #tpu.memory_space<vmem>> -> memref<128x64xf32, #tpu.memory_space<vmem>>
            tpu.wait_dma2 semaphore(%run_scoped3A : memref<!tpu.dma_semaphore, #tpu.memory_space<semaphore_mem>>) src(%dma_wait3A_242 : memref<128x64xf32, #tpu.memory_space<vmem>>) dst(%dma_wait3A_238 : memref<128x64xf32, #tpu.memory_space<hbm>>)
            tpu.yield
          }) : () -> ()
          "tpu.region"() ({
            %run_scoped3A = tpu.sem_alloc : memref<!tpu.dma_semaphore, #tpu.memory_space<semaphore_mem>>
            %dma_start3A_219 = arith.constant 0 : i32
            %dma_start3A_220 = arith.constant 0 : i32
            %dma_start3A_221 = tpu.memref_slice %arg12[%scan3A_17, %dma_start3A_219, %dma_start3A_220] : memref<4x128x64xf32, #tpu.memory_space<vmem>> -> memref<1x128x64xf32, #tpu.memory_space<vmem>>
            %dma_start3A_222 = tpu.memref_squeeze %dma_start3A_221 : memref<1x128x64xf32, #tpu.memory_space<vmem>> -> memref<128x64xf32, #tpu.memory_space<vmem>>
            %dma_start3A_223 = arith.constant 0 : i32
            %dma_start3A_224 = tpu.memref_slice %arg13[%add3A_212, %dma_start3A_223] : memref<10240x64xf32, #tpu.memory_space<vmem_shared>> -> memref<128x64xf32, #tpu.memory_space<vmem_shared>>
            %dma_start3A_225 = arith.constant 0 : i32
            %dma_start3A_226 = tpu.memref_slice %arg13[%add3A_212, %dma_start3A_225] : memref<10240x64xf32, #tpu.memory_space<vmem_shared>> -> memref<128x64xf32, #tpu.memory_space<vmem_shared>>
            %dma_start3A_227 = arith.constant 0 : i32
            %dma_start3A_228 = arith.constant 0 : i32
            %dma_start3A_229 = tpu.memref_slice %arg12[%scan3A_17, %dma_start3A_227, %dma_start3A_228] : memref<4x128x64xf32, #tpu.memory_space<vmem>> -> memref<1x128x64xf32, #tpu.memory_space<vmem>>
            %dma_start3A_230 = tpu.memref_squeeze %dma_start3A_229 : memref<1x128x64xf32, #tpu.memory_space<vmem>> -> memref<128x64xf32, #tpu.memory_space<vmem>>
            tpu.enqueue_dma source(%dma_start3A_230 : memref<128x64xf32, #tpu.memory_space<vmem>>) target(%dma_start3A_226 : memref<128x64xf32, #tpu.memory_space<vmem_shared>>) target_semaphore(%run_scoped3A : memref<!tpu.dma_semaphore, #tpu.memory_space<semaphore_mem>>)
            %dma_wait3A_231 = arith.constant 0 : i32
            %dma_wait3A_232 = arith.constant 0 : i32
            %dma_wait3A_233 = tpu.memref_slice %arg12[%scan3A_17, %dma_wait3A_231, %dma_wait3A_232] : memref<4x128x64xf32, #tpu.memory_space<vmem>> -> memref<1x128x64xf32, #tpu.memory_space<vmem>>
            %dma_wait3A_234 = tpu.memref_squeeze %dma_wait3A_233 : memref<1x128x64xf32, #tpu.memory_space<vmem>> -> memref<128x64xf32, #tpu.memory_space<vmem>>
            %dma_wait3A_235 = arith.constant 0 : i32
            %dma_wait3A_236 = tpu.memref_slice %arg13[%add3A_212, %dma_wait3A_235] : memref<10240x64xf32, #tpu.memory_space<vmem_shared>> -> memref<128x64xf32, #tpu.memory_space<vmem_shared>>
            %dma_wait3A_237 = arith.constant 0 : i32
            %dma_wait3A_238 = tpu.memref_slice %arg13[%add3A_212, %dma_wait3A_237] : memref<10240x64xf32, #tpu.memory_space<vmem_shared>> -> memref<128x64xf32, #tpu.memory_space<vmem_shared>>
            %dma_wait3A_239 = arith.constant 0 : i32
            %dma_wait3A_240 = arith.constant 0 : i32
            %dma_wait3A_241 = tpu.memref_slice %arg12[%scan3A_17, %dma_wait3A_239, %dma_wait3A_240] : memref<4x128x64xf32, #tpu.memory_space<vmem>> -> memref<1x128x64xf32, #tpu.memory_space<vmem>>
            %dma_wait3A_242 = tpu.memref_squeeze %dma_wait3A_241 : memref<1x128x64xf32, #tpu.memory_space<vmem>> -> memref<128x64xf32, #tpu.memory_space<vmem>>
            tpu.wait_dma2 semaphore(%run_scoped3A : memref<!tpu.dma_semaphore, #tpu.memory_space<semaphore_mem>>) src(%dma_wait3A_242 : memref<128x64xf32, #tpu.memory_space<vmem>>) dst(%dma_wait3A_238 : memref<128x64xf32, #tpu.memory_space<vmem_shared>>)
            tpu.yield
          }) : () -> ()
        }
        %scan3A_207 = arith.constant 5 : i32
        %barrier3A_208 = arith.constant 0 : index
        tpu.barrier barrier_id(%barrier3A_208)
        "tpu.trace_stop"() : () -> ()
      }
      %scan3A_22 = arith.constant 10 : i32
    } else {
    }
    return
  }
}

module attributes {stable_mosaic.version = 14 : i64} {
  func.func @_mm_body(%arg0: memref<10240x128xf32, #tpu.memory_space<vmem>>, %arg1: memref<128x128xf32, #tpu.memory_space<vmem>>, %arg2: memref<1x128xf32, #tpu.memory_space<vmem>>, %arg3: memref<10240x64xf32, #tpu.memory_space<vmem>>, %arg4: memref<10240x64xf32, #tpu.memory_space<vmem>>, %arg5: memref<10240x64xf32, #tpu.memory_space<vmem>>, %arg6: memref<10240x64xf32, #tpu.memory_space<vmem>>) attributes {dimension_semantics = [], scalar_prefetch = 0 : i64, scratch_operands = 0 : i64, tpu.core_type = #tpu.core_type<tc>} {
    %get3A = arith.constant 0 : index
    %get3A_0 = arith.constant 0 : index
    %get3A_1 = vector.load %arg0[%get3A, %get3A_0] : memref<10240x128xf32, #tpu.memory_space<vmem>>, vector<10240x128xf32>
    %get3A_2 = arith.constant 0 : index
    %get3A_3 = arith.constant 0 : index
    %get3A_4 = vector.load %arg1[%get3A_2, %get3A_3] : memref<128x128xf32, #tpu.memory_space<vmem>>, vector<128x128xf32>
    %dot_general3A = arith.constant dense<0.000000e+00> : vector<10240x128xf32>
    %dot_general3A_5 = tpu.matmul %get3A_1, %get3A_4, %dot_general3A {dimension_numbers = #tpu.dot_dimension_numbers<[1], [0], [0], [1], [0, 0, 1, 1], [], []>, transpose_lhs_hint = false} : vector<10240x128xf32>, vector<128x128xf32>, vector<10240x128xf32> -> vector<10240x128xf32>
    %get3A_6 = arith.constant 0 : index
    %get3A_7 = arith.constant 0 : index
    %get3A_8 = vector.load %arg2[%get3A_6, %get3A_7] : memref<1x128xf32, #tpu.memory_space<vmem>>, vector<1x128xf32>
    %add3A = vector.broadcast %get3A_8 : vector<1x128xf32> to vector<10240x128xf32>
    %add3A_9 = arith.addf %dot_general3A_5, %add3A : vector<10240x128xf32>
    %mul3A = arith.constant 0.111111112 : f32
    %mul3A_10 = vector.broadcast %mul3A : f32 to vector<10240x128xf32>
    %mul3A_11 = arith.mulf %add3A_9, %mul3A_10 : vector<10240x128xf32>
    %slice3A = vector.extract_strided_slice %add3A_9 {offsets = [0, 0], sizes = [10240, 64], strides = [1, 1]} : vector<10240x128xf32> to vector<10240x64xf32>
    %swap3A = arith.constant 0 : index
    %swap3A_12 = arith.constant 0 : index
    %swap3A_13 = vector.load %arg3[%swap3A, %swap3A_12] : memref<10240x64xf32, #tpu.memory_space<vmem>>, vector<10240x64xf32>
    tpu.vector_store %arg3[%swap3A, %swap3A_12], %slice3A {strides = array<i32>} : memref<10240x64xf32, #tpu.memory_space<vmem>>, vector<10240x64xf32>,
    %slice3A_14 = vector.extract_strided_slice %add3A_9 {offsets = [0, 64], sizes = [10240, 64], strides = [1, 1]} : vector<10240x128xf32> to vector<10240x64xf32>
    %swap3A_15 = arith.constant 0 : index
    %swap3A_16 = arith.constant 0 : index
    %swap3A_17 = vector.load %arg4[%swap3A_15, %swap3A_16] : memref<10240x64xf32, #tpu.memory_space<vmem>>, vector<10240x64xf32>
    tpu.vector_store %arg4[%swap3A_15, %swap3A_16], %slice3A_14 {strides = array<i32>} : memref<10240x64xf32, #tpu.memory_space<vmem>>, vector<10240x64xf32>,
    %slice3A_18 = vector.extract_strided_slice %mul3A_11 {offsets = [0, 0], sizes = [10240, 64], strides = [1, 1]} : vector<10240x128xf32> to vector<10240x64xf32>
    %swap3A_19 = arith.constant 0 : index
    %swap3A_20 = arith.constant 0 : index
    %swap3A_21 = vector.load %arg5[%swap3A_19, %swap3A_20] : memref<10240x64xf32, #tpu.memory_space<vmem>>, vector<10240x64xf32>
    tpu.vector_store %arg5[%swap3A_19, %swap3A_20], %slice3A_18 {strides = array<i32>} : memref<10240x64xf32, #tpu.memory_space<vmem>>, vector<10240x64xf32>,
    %slice3A_22 = vector.extract_strided_slice %mul3A_11 {offsets = [0, 64], sizes = [10240, 64], strides = [1, 1]} : vector<10240x128xf32> to vector<10240x64xf32>
    %swap3A_23 = arith.constant 0 : index
    %swap3A_24 = arith.constant 0 : index
    %swap3A_25 = vector.load %arg6[%swap3A_23, %swap3A_24] : memref<10240x64xf32, #tpu.memory_space<vmem>>, vector<10240x64xf32>
    tpu.vector_store %arg6[%swap3A_23, %swap3A_24], %slice3A_22 {strides = array<i32>} : memref<10240x64xf32, #tpu.memory_space<vmem>>, vector<10240x64xf32>,
    return
  }
}

</mosaic_0001>

<sc_bundles>
// kernel: kernel.4.cloned.1.call-start
scs
__scs_entry_jumppad:
0x0: {  	(pc) =	sbr.rel $0x88, $3  }
0x1: {  	(tag) =	ssettag $0x0;
	lr =	simm.s32 $0x1  }
0x2: {  	[smem:$0x3F9D] =	sst lr;
	_ =	strace $0xD0000000  }
0x3: {  	_ = 	snop  }
0x4: {  	_ = 	snop  }
0x5: {  	_ = 	snop  }
0x6: {  	_ = 	snop  }
0x7: {  	_ = 	snop  }
__scs_overlays_trampoline_lowered:
0x8: {  	[smem:$0x3FAC] =	sst s0  }
0x9: {  	[smem:$0x3FAD] =	sst s1  }
0xa: {  	[smem:$0x3FAE] =	sst s2  }
0xb: {  	[smem:$0x3FAF] =	sst s3  }
0xc: {  	[smem:$0x3FB0] =	sst s4  }
0xd: {  	[smem:$0x3FB1] =	sst s5  }
0xe: {  	[smem:$0x3FB2] =	sst s6  }
0xf: {  	[smem:$0x3FB3] =	sst s7  }
0x10: {  	[smem:$0x3FB4] =	sst s8  }
0x11: {  	[smem:$0x3FB5] =	sst s9;
	s0 =	simm.s32 @!p0 $0x0  }
0x12: {  	s1 =	sld [smem:$0x3F9B];
	s0 =	simm.s32 @p0 $0x1  }
0x13: {  	[smem:$0x3FB6] =	sst s0;
	s0 =	simm.s32 @!p1 $0x0  }
0x14: {  	s2 =	sld [smem:$0x3F9A];
	s0 =	simm.s32 @p1 $0x1  }
0x15: {  	[smem:$0x3FB7] =	sst s0;
	s0 =	simm.s32 @!p2 $0x0  }
0x16: {  	s3 =	sld [smem:$0x3FDB];
	s0 =	simm.s32 @p2 $0x1  }
0x17: {  	s4 =	simm.s32 $0x1BF5;
	[smem:$0x3FB9] =	sst s0  }
0x18: {  	s0 =	sld [smem:$0x3F9C];
	_ =	swait.ge [sflag:s4], $0x0  }
0x19: {  	s7 =	sld [smem:$0x3F9D]  }
0x1a: {  	s8 =	sadd.s32 $0xFFFFE003, lr  }
0x1b: {  	s9 =	sadd.s32 $0xFFFFFEF7, lr;
	s5 =	simm.s32 $0xFFFFFFFF;
	p2 =	slt.u32 s8, $0xFFFFF086  }
0x1c: {  	p1 =	slt.u32 s9, $0xF7A;
	s5 =	simm.s32 @!p2 $0x0  }
0x1d: {  	s5 =	simm.s32 @p1 $0x1;
	p0 =	seq.s32 s7, s2  }
0x1e: {  	s7 =	smul.u32 @!p0 $0xF7A, s2;
	p2 =	seq.s32 @!p0 s5, $0x0  }
0x1f: {  	s9 =	smul.u32 $0xF7A, s1;
	s8 =	simm.s32 @!p0 $0x1BF5;
	p2 =	por !p2, p0  }
0x20: {  	[sflag:s8] =	ssyncset.s32 @!p0 $0xFFFFF086;
	s6 =	sadd.s32 @!p0 s3, s7;
	s7 =	simm.s32 @!p0 $0x108  }
0x21: {  	s3 =	sadd.s32 s3, s9;
	s6 =	sadd.s32 @!p0 $0x88, s6;
	s7 =	simm.s32 @p2 $0x1082  }
0x22: {  	[simem:s7], [sflag:s8] =	dma.local @!p0 [hbm:s6], $0xF7A  }
0x23: {  	s9 =	sor.u32 $0xD0000000, s2;
	s6 =	simm.s32 $0x108;
	_ =	swait.ge @!p0 [sflag:s8], $0x0  }
0x24: {  	s3 =	sadd.s32 $0x88, s3;
	s6 =	simm.s32 @!p1 $0x1082;
	[sflag:s4] =	ssyncset.s32 $0xFFFFF086  }
0x25: {  	[simem:s6], [sflag:s4] =	dma.local [hbm:s3], $0xF7A  }
0x26: {  	[smem:$0x3F9D] =	sst s1;
	(tag) =	ssettag s2;
	_ =	strace s9  }
0x27: {  	s1 =	sld [smem:$0x3FAD]  }
0x28: {  	s2 =	sld [smem:$0x3FAE]  }
0x29: {  	s4 =	sld [smem:$0x3FB0]  }
0x2a: {  	p0 =	seq.s32 s5, $0x0;
	s5 =	sld [smem:$0x3FB1]  }
0x2b: {  	s6 =	sld [smem:$0x3FB2]  }
0x2c: {  	s7 =	sld [smem:$0x3FB3]  }
0x2d: {  	s3 =	simm.s32 $0x108;
	s8 =	sld [smem:$0x3FB4]  }
0x2e: {  	s3 =	simm.s32 @!p0 $0x1082;
	s9 =	sld [smem:$0x3FB5]  }
0x2f: {  	lr =	sadd.s32 s0, s3;
	s0 =	sld [smem:$0x3FAC]  }
0x30: {  	s3 =	sld [smem:$0x3FAF]  }
0x31: {  	[smem:$0x3FB8] =	sst s10  }
0x32: {  	s10 =	sld [smem:$0x3FB6];
	_ =	sdelay $0x3  }
0x33: {  	p0 =	seq.s32 s10, $0x1;
	s10 =	sld [smem:$0x3FB8];
	_ =	sdelay $0x3  }
0x34: {  	[smem:$0x3FB8] =	sst s10  }
0x35: {  	s10 =	sld [smem:$0x3FB7];
	_ =	sdelay $0x3  }
0x36: {  	p1 =	seq.s32 s10, $0x1;
	s10 =	sld [smem:$0x3FB8];
	_ =	sdelay $0x3  }
0x37: {  	[smem:$0x3FB8] =	sst s10  }
0x38: {  	s10 =	sld [smem:$0x3FB9]  }
0x39: {  	_ = 	snop;
	(pc) =	sbr.ind lr, $3  }
0x3a: {  	_ = 	snop  }
0x3b: {  	_ = 	snop  }
0x3c: {  	p2 =	seq.s32 s10, $0x1;
	s10 =	sld [smem:$0x3FB8]  }
0x3d: {  	_ =	shalt  }
0x3e: {  	_ =	shalt  }
0x3f: {  	_ =	shalt  }
0x40: {  	_ =	shalt  }
0x41: {  	_ =	shalt  }
0x42: {  	_ =	shalt  }
0x43: {  	_ =	shalt  }
0x44: {  	_ =	shalt  }
0x45: {  	_ =	shalt  }
0x46: {  	_ =	shalt  }
0x47: {  	_ =	shalt  }
0x48: {  	_ =	shalt  }
0x49: {  	_ =	shalt  }
0x4a: {  	_ =	shalt  }
0x4b: {  	_ =	shalt  }
0x4c: {  	_ =	shalt  }
0x4d: {  	_ =	shalt  }
0x4e: {  	_ =	shalt  }
0x4f: {  	_ =	shalt  }
0x50: {  	_ =	shalt  }
0x51: {  	_ =	shalt  }
0x52: {  	_ =	shalt  }
0x53: {  	_ =	shalt  }
0x54: {  	_ =	shalt  }
0x55: {  	_ =	shalt  }
0x56: {  	_ =	shalt  }
0x57: {  	_ =	shalt  }
0x58: {  	_ =	shalt  }
0x59: {  	_ =	shalt  }
0x5a: {  	_ =	shalt  }
0x5b: {  	_ =	shalt  }
0x5c: {  	_ =	shalt  }
0x5d: {  	_ =	shalt  }
0x5e: {  	_ =	shalt  }
0x5f: {  	_ =	shalt  }
0x60: {  	_ =	shalt  }
0x61: {  	_ =	shalt  }
0x62: {  	_ =	shalt  }
0x63: {  	_ =	shalt  }
0x64: {  	_ =	shalt  }
0x65: {  	_ =	shalt  }
0x66: {  	_ =	shalt  }
0x67: {  	_ =	shalt  }
0x68: {  	_ =	shalt  }
0x69: {  	_ =	shalt  }
0x6a: {  	_ =	shalt  }
0x6b: {  	_ =	shalt  }
0x6c: {  	_ =	shalt  }
0x6d: {  	_ =	shalt  }
0x6e: {  	_ =	shalt  }
0x6f: {  	_ =	shalt  }
0x70: {  	_ =	shalt  }
0x71: {  	_ =	shalt  }
0x72: {  	_ =	shalt  }
0x73: {  	_ =	shalt  }
0x74: {  	_ =	shalt  }
0x75: {  	_ =	shalt  }
0x76: {  	_ =	shalt  }
0x77: {  	_ =	shalt  }
0x78: {  	_ =	shalt  }
0x79: {  	_ =	shalt  }
0x7a: {  	_ =	shalt  }
0x7b: {  	_ =	shalt  }
0x7c: {  	_ =	shalt  }
0x7d: {  	_ =	shalt  }
0x7e: {  	_ =	shalt  }
0x7f: {  	_ =	shalt  }
0x80: {  	_ =	shalt  }
0x81: {  	_ =	shalt  }
0x82: {  	_ =	shalt  }
0x83: {  	_ =	shalt  }
0x84: {  	_ =	shalt  }
0x85: {  	_ =	shalt  }
0x86: {  	_ =	shalt  }
0x87: {  	_ =	shalt  }
.Lfunc_end0:
.L_simem_size_0:
called_computation_lowered:
.L_overlay_start_0:
0x88: {  	s2 =	sld [smem:$0x3FD9]  }
0x89: {  	s3 =	sld [smem:$0x3FFE];
	_ =	sdelay $0x1  }
0x8a: {  	s1 =	srdreg.scid  }
0x8b: {  	s0 =	sand.u32 $0x1, s1  }
0x8c: {  	s17 =	sshll.u32 s0, $0xA;
	s2 =	sadd.s32 s3, s2  }
0x8d: {  	s2 =	sadd.s32 s2, s17  }
0x8e: {  	[smem:$0x3FC4] =	sst s2  }
0x8f: {  	_ = 	snop  }
0x90: {  	s2 =	sld [smem:$0x3FD0];
	(tm) =	ssettm $0x1  }
0x91: {  	s18 =	sld [smem:$0x3FFB];
	_ =	sdelay $0x3  }
0x92: {  	_ =	strace s18  }
0x93: {  	s3 =	sld [smem:$0x3FFC];
	_ =	sdelay $0x3  }
0x94: {  	_ =	strace s3  }
0x95: {  	s3 =	sld [smem:$0x3FFD];
	_ =	sdelay $0x3  }
0x96: {  	_ =	strace s3  }
0x97: {  	_ =	strace $0x8FFFFFFF  }
0x98: {  	s19 =	sld [smem:$0x3FDB];
	_ =	sdelay $0x1  }
0x99: {  	s4 =	simm.s32 $_scs_section_size  }
0x9a: {  	s5 =	simm.s32 $_size__tile_overlayer_lowered;
	s6 =	simm.s32 $_tile_overlayer_lowered  }
0x9b: {  	s22 =	simm.s32 $0x1BFF;
	s21 =	sshll.u32 s6, $0x1;
	s3 =	sadd.s32 s4, s19  }
0x9c: {  	s7 =	simm.s32 $0x0;
	s20 =	sshll.u32 s5, $0x1;
	s5 =	sadd.s32 s21, s3  }
0x9d: {  	[timem:s7], [sflag:s22] =	dma.local [hbm:s5], s20  }
0x9e: {  	_ =	swait.ge [sflag:s22], s20  }
0x9f: {  	s4 =	ssub.s32 $0x0, s20;
	[sflag:s22] =	ssyncset.done $0x0  }
0xa0: {  	[sflag:s22] =	ssyncadd.s32 s4;
	_ =	sdelay $0x1  }
0xa1: {  	s23 =	simm.s32 $0x1B8B  }
0xa2: {  	_ =	swait.ge [sflag:s23], $0x1  }
0xa3: {  	[sflag:s23] =	ssyncset.done $0x0  }
0xa4: {  	s25 =	simm.s32 $0x1B8E;
	s24 =	sld [smem:$0x3FFE];
	[sflag:s23] =	ssyncadd.s32 $0xFFFFFFFF  }
0xa5: {  	s26 =	simm.s32 $execute0_lowered;
	[smem:$0x3FD2] =	sst s25  }
0xa6: {  	s5 =	sshll.u32 s26, $0x1;
	_ =	strace $0x80000046;
	[dreg:$0x1] =	wrdreg $0xFFFFFFFF  }
0xa7: {  	s28 =	simm.s32 $_size_execute0_lowered;
	s3 =	sadd.s32 s3, s5;
	[dreg:$0x0] =	wrdreg $0x0  }
0xa8: {  	s5 =	sshll.u32 s28, $0x1;
	[dreg:$0x2] =	wrdreg s3  }
0xa9: {  	[dreg:$0x3] =	wrdreg s5  }
0xaa: {  	[dreg:$0x4] =	wrdreg $0xC0  }
0xab: {  	_ =	task [dreg:s7], $0x5FFFF  }
0xac: {  	[dreg:$0x1] =	wrdreg $0xFFFFFFFF  }
0xad: {  	[dreg:$0x0] =	wrdreg $0x60  }
0xae: {  	[dreg:$0x2] =	wrdreg s24  }
0xaf: {  	[dreg:$0x3] =	wrdreg s2  }
0xb0: {  	[dreg:$0x4] =	wrdreg $0x120000  }
0xb1: {  	[dreg:$0x5] =	wrdreg $0x9  }
0xb2: {  	_ =	task.clear_ibuf [dreg:s7], $0x6FFFF;
	_ =	strace $0x90000046  }
0xb3: {  	s29 =	simm.s32 $0x9;
	_ =	strace $0x8000004C  }
0xb4: {  	_ =	swait.ge [sflag:s29], $0x1  }
0xb5: {  	[sflag:s29] =	ssyncadd.s32 $0xFFFFFFFF  }
0xb6: {  	_ =	strace $0x9000004C  }
0xb7: {  	_ =	sfence  }
0xb8: {  	s30 =	sld [smem:$0x0];
	_ =	sdelay $0x2  }
0xb9: {  	s31 =	sshll.u32 s1, $0xD;
	s1 =	sshrl.u32 s1, $0x2  }
0xba: {  	s3 =	sand.u32 $0x4000, s31;
	s1 =	sadd.s32 s1, s30  }
0xbb: {  	s0 =	sor.u32 s3, s0;
	s1 =	sshll.u32 s1, $0x11  }
0xbc: {  	s0 =	sor.u32 s1, s0  }
0xbd: {  	s0 =	sadd.s32 $0x8F2B, s0  }
0xbe: {  	[sflag:s0] =	ssyncadd.remote.s32 $0x1  }
0xbf: {  	_ =	sfence.sel $0xFFFF  }
0xc0: {  	[dreg:$0x0] =	wrdreg $0xFFFFFFFF;
	(pc) =	sbr.abs _section_cstart, $3  }
0xc1: {  	[dreg:$0x1] =	wrdreg $0xFFFFFFFF  }
0xc2: {  	_ =	task.clear_ibuf [dreg:s7], $0x2FFFF;
	_ =	strace $0x9FFFFFFF  }
0xc3: {  	(tm) =	ssettm $0x7FFFFFFF  }
tec
execute0_lowered:
.L_overlay_start_1:
0x0: {  	(tag) =	ssettag $0x1  }
0x1: {  	s0 =	rddreg [dreg:$0x0]  }
0x2: {  	s1 =	rddreg [dreg:$0x1]  }
0x3: {  	s2 =	rddreg [dreg:$0x2]  }
0x4: {  	s12 =	stileid.u32;
	s3 =	simm.s32 $0x0;
	s5 =	srdreg.scid  }
0x5: {  	s4 =	smul.u32 $0xA00, s12;
	[smem:$0x7FF] =	sst s3;
	s9 =	sand.u32 $0x1, s5  }
0x6: {  	s15 =	sadd.s32 $0x29000, s0;
	s5 =	sadd.s32 $0x1000, s0;
	s6 =	sadd.s32 $0x51000, s0  }
0x7: {  	s7 =	sadd.s32 $0x65000, s0;
	s13 =	sadd.s32 $0x65800, s0;
	s10 =	ssub.s32 $0x2, s9  }
0x8: {  	s14 =	sadd.s32 $0x65C00, s0;
	_ =	strace $0x80000047;
	s11 =	sshrl.u32 s10, $0x1  }
0x9: {  	s8 =	sadd.s32 s4, s0;
	s4 =	sadd.s32 $0x15000, s0;
	s16 =	ssub.s32 s10, s11  }
0xa: {  	s23 =	sadd.s32 $0x3D000, s8;
	s8 =	sadd.s32 $0x47000, s8;
	s10 =	smul.u32 $0xA000, s12  }
0xb: {  	s11 =	sadd.s32 $0x51800, s0;
	s12 =	sadd.s32 $0x51C00, s0;
	[dreg:$0x4] =	wrdreg s23  }
0xc: {  	[dreg:$0x5] =	wrdreg s8;
	s25 =	smax.u32 s16, $0x1;
	s0 =	sshrl.u32 s10, $0x3  }
0xd: {  	s24 =	sadd.s32 $0x2000, s10;
	[dreg:$0x6] =	wrdreg s25;
	s26 =	sadd.s32 s1, s0  }
0xe: {  	s8 =	sadd.s32 s24, s2;
	[dreg:$0x7] =	wrdreg s26  }
0xf: {  	p0 =	seq.s32 s9, $0x1;
	s22 =	sadd.s32 s6, s0;
	[dreg:$0x8] =	wrdreg s8  }
0x10: {  	s16 =	sadd.s32 $0x4000, s10;
	s23 =	sadd.s32 s4, s0;
	[dreg:$0xf] =	wrdreg s22  }
0x11: {  	s18 =	sadd.s32 $0x6000, s10;
	s25 =	sadd.s32 s15, s0;
	[dreg:$0x10] =	wrdreg s23  }
0x12: {  	s9 =	sshrl.u32 s24, $0x3;
	s8 =	sadd.s32 s16, s2;
	[dreg:$0x11] =	wrdreg s25  }
0x13: {  	s17 =	sshrl.u32 s16, $0x3;
	s16 =	sadd.s32 s18, s2;
	[dreg:$0x9] =	wrdreg s8  }
0x14: {  	s19 =	sadd.s32 s1, s9;
	[dreg:$0xa] =	wrdreg s16  }
0x15: {  	s26 =	sadd.s32 s7, s0;
	[dreg:$0xb] =	wrdreg s19  }
0x16: {  	s0 =	sadd.s32 s5, s0;
	[dreg:$0x12] =	wrdreg s26  }
0x17: {  	s22 =	sadd.s32 s6, s17;
	[dreg:$0x13] =	wrdreg s0  }
0x18: {  	s23 =	sadd.s32 s4, s17;
	[dreg:$0x19] =	wrdreg s22  }
0x19: {  	s25 =	sadd.s32 s15, s17;
	[dreg:$0x1a] =	wrdreg s23  }
0x1a: {  	s8 =	sshrl.u32 s18, $0x3;
	s18 =	sadd.s32 s1, s17;
	[dreg:$0x1b] =	wrdreg s25  }
0x1b: {  	s16 =	sadd.s32 s4, s9;
	[dreg:$0xc] =	wrdreg s18  }
0x1c: {  	s19 =	sadd.s32 s15, s9;
	[dreg:$0x15] =	wrdreg s16  }
0x1d: {  	s20 =	sadd.s32 $0x8000, s10;
	s26 =	sadd.s32 s7, s17;
	[dreg:$0x16] =	wrdreg s19  }
0x1e: {  	s24 =	sadd.s32 s20, s2;
	s21 =	sadd.s32 s1, s8;
	[dreg:$0x1c] =	wrdreg s26  }
0x1f: {  	s18 =	sshrl.u32 s20, $0x3;
	s20 =	sadd.s32 s7, s9;
	[dreg:$0xd] =	wrdreg s21  }
0x20: {  	s16 =	sadd.s32 s4, s8;
	[dreg:$0x17] =	wrdreg s20  }
0x21: {  	s19 =	sadd.s32 s7, s8;
	[dreg:$0x1f] =	wrdreg s16  }
0x22: {  	s1 =	sadd.s32 s1, s18;
	[smem:$0x7F7] =	sst s19  }
0x23: {  	s21 =	sadd.s32 s5, s9;
	[dreg:$0xe] =	wrdreg s1  }
0x24: {  	s28 =	simm.s32 $0xA000;
	s20 =	sadd.s32 s5, s8;
	[dreg:$0x18] =	wrdreg s21  }
0x25: {  	s29 =	simm.s32 $0xC000;
	s22 =	sadd.s32 s6, s18;
	[smem:$0x7F8] =	sst s20  }
0x26: {  	s30 =	simm.s32 $0x80;
	s23 =	sadd.s32 s4, s18;
	[smem:$0x7FA] =	sst s22  }
0x27: {  	s31 =	simm.s32 $0x1;
	s25 =	sadd.s32 s7, s18;
	[smem:$0x7FB] =	sst s23  }
0x28: {  	s0 =	simm.s32 $0xE000;
	s26 =	sadd.s32 s5, s18;
	[smem:$0x7FC] =	sst s25  }
0x29: {  	s16 =	simm.s32 $0x2;
	s1 =	sadd.s32 s6, s9;
	[smem:$0x7FD] =	sst s26  }
.Ltmp0:
0x2a: {  	s9 =	sadd.s32 s6, s8;
	[dreg:$0x14] =	wrdreg s1;
	(pc) =	sbr.rel .LBB2_1-.Ltmp0, $4  }
0x2b: {  	s21 =	sadd.s32 s15, s18;
	s23 =	sadd.s32 $0x2000, s2;
	[dreg:$0x1e] =	wrdreg s9  }
0x2c: {  	s25 =	sadd.s32 s10, s2;
	s1 =	sadd.s32 s5, s17;
	[smem:$0x7F9] =	sst s21  }
0x2d: {  	s26 =	simm.s32 $0x3;
	s17 =	sadd.s32 s15, s8;
	[dreg:$0x1d] =	wrdreg s1  }
0x2e: {  	s20 =	simm.s32 $0x0;
	[smem:$0x7F6] =	sst s17;
	s1 =	simm.s32 $0x10000  }
.LBB2_14:
0x2f: {  	s20 =	sadd.s32 $0x1, s20;
	s8 =	rddreg [dreg:$0x6]  }
0x30: {  	p1 =	sne.s32 s20, s8  }
.Ltmp1:
0x31: {  	_ = 	snop;
	(pc) =	sbr.rel @!p1 .LBB2_15-.Ltmp1, $1  }
0x32: {  	_ =	sdelay $0x3  }
.LBB2_1:
0x33: {  	s8 =	rddreg [dreg:$0x4]  }
0x34: {  	[tilespmem:s3], [sflag:$0x3] =	stream.linear.gather [hbm4b:s8+s3], $0x5000, $0x38;
	[tilespmem:$0x1C000] =	vst v63  }
0x35: {  	_ =	swait.ge [sflag:s26], $0x5000  }
0x36: {  	s9 =	simm.s32 $0x5000;
	[sflag:s26] =	ssyncset.done $0x0  }
.Ltmp2:
0x37: {  	s22 =	rddreg [dreg:$0x5];
	[sflag:s26] =	ssyncadd.s32 $0xFFFFB000;
	(pc) =	sbr.rel @!p0 .LBB2_2-.Ltmp2, $4  }
0x38: {  	[tilespmem:s9], [sflag:$0x3] =	stream.linear.gather [hbm4b:s22+s3], $0x5000, $0x38;
	[tilespmem:$0x1C000] =	vst v63  }
0x39: {  	_ =	swait.ge [sflag:s26], $0x5000  }
0x3a: {  	[sflag:s26] =	ssyncset.done $0x0  }
0x3b: {  	s21 =	simm.s32 $0x0;
	[sflag:s26] =	ssyncadd.s32 $0xFFFFB000  }
0x3c: {  	s8 =	rddreg [dreg:$0x11]  }
0x3d: {  	[tilespmem:s28], [sflag:$0x3] =	stream.linear.gather [hbm4b:s8+s21], $0x2000, $0x38;
	[tilespmem:$0x1C000] =	vst v63  }
0x3e: {  	_ =	swait.ge [sflag:s26], $0x2000  }
0x3f: {  	[sflag:s26] =	ssyncset.done $0x0  }
0x40: {  	s15 =	rddreg [dreg:$0x12];
	[sflag:s26] =	ssyncadd.s32 $0xFFFFE000  }
0x41: {  	[hbm4b:s15+s21] =	stream.linear.scatter [tilespmem:s28], [sflag:$0x3], $0x2000, $0x38;
	[tilespmem:$0x1C000] =	vst v63  }
0x42: {  	_ =	swait.ge [sflag:s26], $0x2000  }
0x43: {  	[sflag:s26] =	ssyncset.done $0x0  }
0x44: {  	s17 =	rddreg [dreg:$0x13];
	[sflag:s26] =	ssyncadd.s32 $0xFFFFE000  }
0x45: {  	[tilespmem:s29], [sflag:$0x3] =	stream.linear.gather [hbm4b:s17+s21], $0x2000, $0x38;
	[tilespmem:$0x1C000] =	vst v63  }
0x46: {  	_ =	swait.ge [sflag:s26], $0x2000  }
0x47: {  	[sflag:s26] =	ssyncset.done $0x0  }
0x48: {  	[sflag:s26] =	ssyncadd.s32 $0xFFFFE000  }
0x49: {  	[spmem:s25] =	stream.linear.scatter [tilespmem:s29], [sflag:$0x3], $0x2000, $0x38;
	[tilespmem:$0x1C000] =	vst v63  }
0x4a: {  	_ =	swait.ge [sflag:s26], $0x2000  }
0x4b: {  	[sflag:s26] =	ssyncset.done $0x0  }
0x4c: {  	s18 =	rddreg [dreg:$0x16];
	[sflag:s26] =	ssyncadd.s32 $0xFFFFE000  }
0x4d: {  	[tilespmem:s28], [sflag:$0x3] =	stream.linear.gather [hbm4b:s18+s21], $0x2000, $0x38;
	[tilespmem:$0x1C000] =	vst v63  }
0x4e: {  	_ =	swait.ge [sflag:s26], $0x2000  }
0x4f: {  	[sflag:s26] =	ssyncset.done $0x0  }
0x50: {  	s19 =	rddreg [dreg:$0x17];
	[sflag:s26] =	ssyncadd.s32 $0xFFFFE000  }
0x51: {  	[hbm4b:s19+s21] =	stream.linear.scatter [tilespmem:s28], [sflag:$0x3], $0x2000, $0x38;
	[tilespmem:$0x1C000] =	vst v63  }
0x52: {  	_ =	swait.ge [sflag:s26], $0x2000  }
0x53: {  	[sflag:s26] =	ssyncset.done $0x0  }
0x54: {  	s22 =	rddreg [dreg:$0x18];
	[sflag:s26] =	ssyncadd.s32 $0xFFFFE000  }
0x55: {  	[tilespmem:s29], [sflag:$0x3] =	stream.linear.gather [hbm4b:s22+s21], $0x2000, $0x38;
	[tilespmem:$0x1C000] =	vst v63  }
0x56: {  	_ =	swait.ge [sflag:s26], $0x2000  }
0x57: {  	[sflag:s26] =	ssyncset.done $0x0  }
0x58: {  	s9 =	rddreg [dreg:$0x8];
	[sflag:s26] =	ssyncadd.s32 $0xFFFFE000  }
0x59: {  	[spmem:s9] =	stream.linear.scatter [tilespmem:s29], [sflag:$0x3], $0x2000, $0x38;
	[tilespmem:$0x1C000] =	vst v63  }
0x5a: {  	_ =	swait.ge [sflag:s26], $0x2000  }
0x5b: {  	[sflag:s26] =	ssyncset.done $0x0  }
0x5c: {  	s15 =	rddreg [dreg:$0x1b];
	[sflag:s26] =	ssyncadd.s32 $0xFFFFE000  }
0x5d: {  	[tilespmem:s28], [sflag:$0x3] =	stream.linear.gather [hbm4b:s15+s21], $0x2000, $0x38;
	[tilespmem:$0x1C000] =	vst v63  }
0x5e: {  	_ =	swait.ge [sflag:s26], $0x2000  }
0x5f: {  	[sflag:s26] =	ssyncset.done $0x0  }
0x60: {  	s17 =	rddreg [dreg:$0x1c];
	[sflag:s26] =	ssyncadd.s32 $0xFFFFE000  }
0x61: {  	[hbm4b:s17+s21] =	stream.linear.scatter [tilespmem:s28], [sflag:$0x3], $0x2000, $0x38;
	[tilespmem:$0x1C000] =	vst v63  }
0x62: {  	_ =	swait.ge [sflag:s26], $0x2000  }
0x63: {  	[sflag:s26] =	ssyncset.done $0x0  }
0x64: {  	s18 =	rddreg [dreg:$0x1d];
	[sflag:s26] =	ssyncadd.s32 $0xFFFFE000  }
0x65: {  	[tilespmem:s29], [sflag:$0x3] =	stream.linear.gather [hbm4b:s18+s21], $0x2000, $0x38;
	[tilespmem:$0x1C000] =	vst v63  }
0x66: {  	_ =	swait.ge [sflag:s26], $0x2000  }
0x67: {  	[sflag:s26] =	ssyncset.done $0x0  }
0x68: {  	s19 =	rddreg [dreg:$0x9];
	[sflag:s26] =	ssyncadd.s32 $0xFFFFE000  }
0x69: {  	[spmem:s19] =	stream.linear.scatter [tilespmem:s29], [sflag:$0x3], $0x2000, $0x38;
	[tilespmem:$0x1C000] =	vst v63  }
0x6a: {  	_ =	swait.ge [sflag:s26], $0x2000  }
0x6b: {  	s22 =	sld [smem:$0x7F6]  }
0x6c: {  	[sflag:s26] =	ssyncset.done $0x0  }
0x6d: {  	[sflag:s26] =	ssyncadd.s32 $0xFFFFE000  }
0x6e: {  	[tilespmem:s28], [sflag:$0x3] =	stream.linear.gather [hbm4b:s22+s21], $0x2000, $0x38;
	[tilespmem:$0x1C000] =	vst v63  }
0x6f: {  	_ =	swait.ge [sflag:s26], $0x2000  }
0x70: {  	s9 =	sld [smem:$0x7F7]  }
0x71: {  	[sflag:s26] =	ssyncset.done $0x0  }
0x72: {  	[sflag:s26] =	ssyncadd.s32 $0xFFFFE000  }
0x73: {  	[hbm4b:s9+s21] =	stream.linear.scatter [tilespmem:s28], [sflag:$0x3], $0x2000, $0x38;
	[tilespmem:$0x1C000] =	vst v63  }
0x74: {  	_ =	swait.ge [sflag:s26], $0x2000  }
0x75: {  	s15 =	sld [smem:$0x7F8]  }
0x76: {  	[sflag:s26] =	ssyncset.done $0x0  }
0x77: {  	[sflag:s26] =	ssyncadd.s32 $0xFFFFE000  }
0x78: {  	[tilespmem:s29], [sflag:$0x3] =	stream.linear.gather [hbm4b:s15+s21], $0x2000, $0x38;
	[tilespmem:$0x1C000] =	vst v63  }
0x79: {  	_ =	swait.ge [sflag:s26], $0x2000  }
0x7a: {  	[sflag:s26] =	ssyncset.done $0x0  }
0x7b: {  	s17 =	rddreg [dreg:$0xa];
	[sflag:s26] =	ssyncadd.s32 $0xFFFFE000  }
0x7c: {  	[spmem:s17] =	stream.linear.scatter [tilespmem:s29], [sflag:$0x3], $0x2000, $0x38;
	[tilespmem:$0x1C000] =	vst v63  }
0x7d: {  	_ =	swait.ge [sflag:s26], $0x2000  }
0x7e: {  	s18 =	sld [smem:$0x7F9]  }
0x7f: {  	[sflag:s26] =	ssyncset.done $0x0  }
0x80: {  	[sflag:s26] =	ssyncadd.s32 $0xFFFFE000  }
0x81: {  	[tilespmem:s28], [sflag:$0x3] =	stream.linear.gather [hbm4b:s18+s21], $0x2000, $0x38;
	[tilespmem:$0x1C000] =	vst v63  }
0x82: {  	_ =	swait.ge [sflag:s26], $0x2000  }
0x83: {  	s19 =	sld [smem:$0x7FC]  }
0x84: {  	[sflag:s26] =	ssyncset.done $0x0  }
0x85: {  	[sflag:s26] =	ssyncadd.s32 $0xFFFFE000  }
0x86: {  	[hbm4b:s19+s21] =	stream.linear.scatter [tilespmem:s28], [sflag:$0x3], $0x2000, $0x38;
	[tilespmem:$0x1C000] =	vst v63  }
0x87: {  	_ =	swait.ge [sflag:s26], $0x2000  }
0x88: {  	s22 =	sld [smem:$0x7FD]  }
0x89: {  	[sflag:s26] =	ssyncset.done $0x0  }
0x8a: {  	[sflag:s26] =	ssyncadd.s32 $0xFFFFE000  }
0x8b: {  	[tilespmem:s29], [sflag:$0x3] =	stream.linear.gather [hbm4b:s22+s21], $0x2000, $0x38;
	[tilespmem:$0x1C000] =	vst v63  }
0x8c: {  	_ =	swait.ge [sflag:s26], $0x2000  }
0x8d: {  	[sflag:s26] =	ssyncset.done $0x0  }
0x8e: {  	[sflag:s26] =	ssyncadd.s32 $0xFFFFE000  }
0x8f: {  	[spmem:s24] =	stream.linear.scatter [tilespmem:s29], [sflag:$0x3], $0x2000, $0x38;
	[tilespmem:$0x1C000] =	vst v63  }
0x90: {  	_ =	swait.ge [sflag:s26], $0x2000  }
0x91: {  	[sflag:s26] =	ssyncset.done $0x0  }
0x92: {  	[sflag:s26] =	ssyncadd.s32 $0xFFFFE000  }
0x93: {  	s22 =	simm.s32 $0x0;
	[bflag:$0x0] =	sbarrier.arrive $0xFFFF  }
.LBB2_9:
0x94: {  	_ =	strace $0x8000004A  }
0x95: {  	[tilespmem:s28], [sflag:$0x1] =	stream.indirect.gather [hbm4b:s7+s30], $0x40, s21, s30, $0x2000b8;
	[tilespmem:$0x1C000] =	vst v63  }
0x96: {  	_ = 	snop  }
0x97: {  	[tilespmem:s29], [sflag:$0x1] =	stream.indirect.gather [hbm4b:s7+s30], $0x40, s30, s30, $0x2000b8;
	[tilespmem:$0x1C000] =	vst v63  }
0x98: {  	_ =	swait.ge [sflag:s31], $0x2000  }
0x99: {  	[sflag:s31] =	ssyncset.done $0x0  }
0x9a: {  	[sflag:s31] =	ssyncadd.s32 $0xFFFFE000  }
0x9b: {  	_ =	swait.ge [sflag:s31], $0x2000  }
0x9c: {  	[sflag:s31] =	ssyncset.done $0x0  }
0x9d: {  	[sflag:s31] =	ssyncadd.s32 $0xFFFFE000  }
0x9e: {  	[tilespmem:s0], [sflag:$0x1] =	stream.linear.gather [hbm4b:s13+s21], $0x2000, $0x200038;
	[tilespmem:$0x1C000] =	vst v63  }
0x9f: {  	_ = 	snop  }
0xa0: {  	[tilespmem:s1], [sflag:$0x1] =	stream.linear.gather [hbm4b:s14+s21], $0x2000, $0x200038;
	[tilespmem:$0x1C000] =	vst v63  }
0xa1: {  	_ = 	snop  }
0xa2: {  	[spmem:s2] =	stream.linear.scatter [tilespmem:s28], [sflag:$0x2], $0x2000, $0x200038;
	[tilespmem:$0x1C000] =	vst v63  }
0xa3: {  	_ = 	snop  }
0xa4: {  	[spmem:s23] =	stream.linear.scatter [tilespmem:s29], [sflag:$0x2], $0x2000, $0x200038;
	[tilespmem:$0x1C000] =	vst v63  }
0xa5: {  	_ =	swait.ge [sflag:s16], $0x2000  }
0xa6: {  	[sflag:s16] =	ssyncset.done $0x0  }
0xa7: {  	[sflag:s16] =	ssyncadd.s32 $0xFFFFE000  }
0xa8: {  	_ =	swait.ge [sflag:s16], $0x2000  }
0xa9: {  	[sflag:s16] =	ssyncset.done $0x0  }
0xaa: {  	[sflag:s16] =	ssyncadd.s32 $0xFFFFE000  }
0xab: {  	_ =	swait.ge [sflag:s31], $0x2000  }
0xac: {  	[sflag:s31] =	ssyncset.done $0x0  }
0xad: {  	[sflag:s31] =	ssyncadd.s32 $0xFFFFE000  }
0xae: {  	_ =	swait.ge [sflag:s31], $0x2000  }
0xaf: {  	[sflag:s31] =	ssyncset.done $0x0  }
0xb0: {  	[sflag:s31] =	ssyncadd.s32 $0xFFFFE000  }
0xb1: {  	[bflag:$0x0] =	sbarrier.arrive $0xFFFF  }
0xb2: {  	_ =	strace $0x9000004A  }
0xb3: {  	s8 =	simm.s32 $0x0;
	_ =	strace $0x8000004B  }
.LBB2_10:
0xb4: {  	s9 =	sshll.u32 s8, $0xD  }
0xb5: {  	s15 =	sadd.s32 s10, s9  }
0xb6: {  	s9 =	sadd.s32 s15, s2  }
0xb7: {  	[tilespmem:s28], [sflag:$0x3] =	stream.linear.gather [spmem:s9], $0x2000, $0x200038;
	[tilespmem:$0x1C000] =	vst v63  }
0xb8: {  	_ =	swait.ge [sflag:s26], $0x2000  }
0xb9: {  	s15 =	sshrl.u32 s15, $0x3;
	[sflag:s26] =	ssyncset.done $0x0  }
0xba: {  	s18 =	simm.s32 $0x0;
	s17 =	sadd.s32 s5, s15;
	[sflag:s26] =	ssyncadd.s32 $0xFFFFE000  }
0xbb: {  	[tilespmem:s29], [sflag:$0x3] =	stream.linear.gather [hbm4b:s17+s18], $0x2000, $0x200038;
	[tilespmem:$0x1C000] =	vst v63  }
0xbc: {  	_ =	swait.ge [sflag:s26], $0x2000  }
0xbd: {  	[sflag:s26] =	ssyncset.done $0x0  }
0xbe: {  	s17 =	simm.s32 $0x0;
	[sflag:s26] =	ssyncadd.s32 $0xFFFFE000  }
0xbf: {  	v0 =	vld [tilespmem:s17+$0xA000]  }
0xc0: {  	v2 =	vld [tilespmem:s17+$0xA010]  }
0xc1: {  	s18 =	simm.s32 $0x100;
	v1 =	vld [tilespmem:s17+$0xA020]  }
.LBB2_11:
0xc2: {  	p1 =	sne.s32 s18, $0x7F00;
	v3 =	vld [tilespmem:s17+$0xA030];
	_ =	sdelay $0x1  }
0xc3: {  	v0 =	vmul.f32 $8.999999760e-01, v0  }
.Ltmp3:
0xc4: {  	v2 =	vmul.f32 $8.999999760e-01, v2;
	(pc) =	sbr.rel @p1 .LBB2_11-.Ltmp3, $4  }
0xc5: {  	s19 =	sshra.s32 s18, $0x2;
	[tilespmem:s17+$0xA000] =	vst v0;
	v1 =	vmul.f32 $8.999999760e-01, v1  }
0xc6: {  	v0 =	vld [tilespmem:s19+$0xA000];
	[tilespmem:s17+$0xA010] =	vst v2;
	v3 =	vmul.f32 $8.999999760e-01, v3  }
0xc7: {  	v2 =	vld [tilespmem:s19+$0xA010];
	[tilespmem:s17+$0xA020] =	vst v1  }
0xc8: {  	s18 =	sadd.s32 $0x100, s18;
	v1 =	vld [tilespmem:s19+$0xA020];
	[tilespmem:s17+$0xA030] =	vst v3;
	s17 =	smov.u32 s19  }
0xc9: {  	v3 =	vld [tilespmem:s17+$0xA030];
	_ =	sdelay $0x1  }
0xca: {  	v0 =	vmul.f32 $8.999999760e-01, v0  }
0xcb: {  	v2 =	vmul.f32 $8.999999760e-01, v2  }
0xcc: {  	[tilespmem:s17+$0xA000] =	vst v0;
	v62 =	vmul.f32 $8.999999760e-01, v1  }
0xcd: {  	[tilespmem:s17+$0xA010] =	vst v2;
	v63 =	vmul.f32 $8.999999760e-01, v3  }
0xce: {  	[tilespmem:s17+$0xA020] =	vst v62  }
0xcf: {  	s15 =	sadd.s32 s7, s15;
	[tilespmem:s17+$0xA030] =	vst v63  }
0xd0: {  	[hbm4b:s15+s3] =	stream.linear.scatter [tilespmem:s28], [sflag:$0x3], $0x2000, $0x200038;
	[tilespmem:$0x1C000] =	vst v63  }
0xd1: {  	s8 =	sadd.s32 $0x1, s8;
	_ =	swait.ge [sflag:s26], $0x2000  }
0xd2: {  	p1 =	sne.s32 s8, $0x5;
	[sflag:s26] =	ssyncset.done $0x0  }
.Ltmp4:
0xd3: {  	[sflag:s26] =	ssyncadd.s32 $0xFFFFE000;
	(pc) =	sbr.rel @p1 .LBB2_10-.Ltmp4, $4  }
0xd4: {  	[spmem:s9] =	stream.linear.scatter [tilespmem:s29], [sflag:$0x3], $0x2000, $0x200038;
	[tilespmem:$0x1C000] =	vst v63  }
0xd5: {  	_ =	swait.ge [sflag:s26], $0x2000  }
0xd6: {  	[sflag:s26] =	ssyncset.done $0x0  }
0xd7: {  	[sflag:s26] =	ssyncadd.s32 $0xFFFFE000  }
0xd8: {  	s22 =	sadd.s32 $0x1, s22  }
0xd9: {  	p1 =	sne.s32 s22, $0xA  }
.Ltmp5:
0xda: {  	_ = 	snop;
	(pc) =	sbr.rel @p1 .LBB2_9-.Ltmp5, $4  }
.Ltmp6:
0xdb: {  	_ = 	snop;
	(pc) =	sbr.rel @!p1 .LBB2_14-.Ltmp6, $4  }
0xdc: {  	_ = 	snop  }
0xdd: {  	[bflag:$0x0] =	sbarrier.arrive $0xFFFF  }
0xde: {  	_ =	strace $0x9000004B  }
0xdf: {  	_ = 	snop  }
.LBB2_2:
0xe0: {  	s8 =	rddreg [dreg:$0x7]  }
0xe1: {  	[tilespmem:s28], [sflag:$0x3] =	stream.linear.gather [hbm4b:s8+s21], $0x2000, $0x38;
	[tilespmem:$0x1C000] =	vst v63  }
0xe2: {  	_ =	swait.ge [sflag:s26], $0x2000  }
0xe3: {  	[sflag:s26] =	ssyncset.done $0x0  }
0xe4: {  	s15 =	rddreg [dreg:$0xf];
	[sflag:s26] =	ssyncadd.s32 $0xFFFFE000  }
0xe5: {  	[hbm4b:s15+s21] =	stream.linear.scatter [tilespmem:s28], [sflag:$0x3], $0x2000, $0x38;
	[tilespmem:$0x1C000] =	vst v63  }
0xe6: {  	_ =	swait.ge [sflag:s26], $0x2000  }
0xe7: {  	[sflag:s26] =	ssyncset.done $0x0  }
0xe8: {  	s17 =	rddreg [dreg:$0x10];
	[sflag:s26] =	ssyncadd.s32 $0xFFFFE000  }
0xe9: {  	[tilespmem:s29], [sflag:$0x3] =	stream.linear.gather [hbm4b:s17+s21], $0x2000, $0x38;
	[tilespmem:$0x1C000] =	vst v63  }
0xea: {  	_ =	swait.ge [sflag:s26], $0x2000  }
0xeb: {  	[sflag:s26] =	ssyncset.done $0x0  }
0xec: {  	[sflag:s26] =	ssyncadd.s32 $0xFFFFE000  }
0xed: {  	[spmem:s25] =	stream.linear.scatter [tilespmem:s29], [sflag:$0x3], $0x2000, $0x38;
	[tilespmem:$0x1C000] =	vst v63  }
0xee: {  	_ =	swait.ge [sflag:s26], $0x2000  }
0xef: {  	[sflag:s26] =	ssyncset.done $0x0  }
0xf0: {  	s18 =	rddreg [dreg:$0xb];
	[sflag:s26] =	ssyncadd.s32 $0xFFFFE000  }
0xf1: {  	[tilespmem:s28], [sflag:$0x3] =	stream.linear.gather [hbm4b:s18+s21], $0x2000, $0x38;
	[tilespmem:$0x1C000] =	vst v63  }
0xf2: {  	_ =	swait.ge [sflag:s26], $0x2000  }
0xf3: {  	[sflag:s26] =	ssyncset.done $0x0  }
0xf4: {  	s19 =	rddreg [dreg:$0x14];
	[sflag:s26] =	ssyncadd.s32 $0xFFFFE000  }
0xf5: {  	[hbm4b:s19+s21] =	stream.linear.scatter [tilespmem:s28], [sflag:$0x3], $0x2000, $0x38;
	[tilespmem:$0x1C000] =	vst v63  }
0xf6: {  	_ =	swait.ge [sflag:s26], $0x2000  }
0xf7: {  	[sflag:s26] =	ssyncset.done $0x0  }
0xf8: {  	s22 =	rddreg [dreg:$0x15];
	[sflag:s26] =	ssyncadd.s32 $0xFFFFE000  }
0xf9: {  	[tilespmem:s29], [sflag:$0x3] =	stream.linear.gather [hbm4b:s22+s21], $0x2000, $0x38;
	[tilespmem:$0x1C000] =	vst v63  }
0xfa: {  	_ =	swait.ge [sflag:s26], $0x2000  }
0xfb: {  	[sflag:s26] =	ssyncset.done $0x0  }
0xfc: {  	s9 =	rddreg [dreg:$0x8];
	[sflag:s26] =	ssyncadd.s32 $0xFFFFE000  }
0xfd: {  	[spmem:s9] =	stream.linear.scatter [tilespmem:s29], [sflag:$0x3], $0x2000, $0x38;
	[tilespmem:$0x1C000] =	vst v63  }
0xfe: {  	_ =	swait.ge [sflag:s26], $0x2000  }
0xff: {  	[sflag:s26] =	ssyncset.done $0x0  }
0x100: {  	s15 =	rddreg [dreg:$0xc];
	[sflag:s26] =	ssyncadd.s32 $0xFFFFE000  }
0x101: {  	[tilespmem:s28], [sflag:$0x3] =	stream.linear.gather [hbm4b:s15+s21], $0x2000, $0x38;
	[tilespmem:$0x1C000] =	vst v63  }
0x102: {  	_ =	swait.ge [sflag:s26], $0x2000  }
0x103: {  	[sflag:s26] =	ssyncset.done $0x0  }
0x104: {  	s17 =	rddreg [dreg:$0x19];
	[sflag:s26] =	ssyncadd.s32 $0xFFFFE000  }
0x105: {  	[hbm4b:s17+s21] =	stream.linear.scatter [tilespmem:s28], [sflag:$0x3], $0x2000, $0x38;
	[tilespmem:$0x1C000] =	vst v63  }
0x106: {  	_ =	swait.ge [sflag:s26], $0x2000  }
0x107: {  	[sflag:s26] =	ssyncset.done $0x0  }
0x108: {  	s18 =	rddreg [dreg:$0x1a];
	[sflag:s26] =	ssyncadd.s32 $0xFFFFE000  }
0x109: {  	[tilespmem:s29], [sflag:$0x3] =	stream.linear.gather [hbm4b:s18+s21], $0x2000, $0x38;
	[tilespmem:$0x1C000] =	vst v63  }
0x10a: {  	_ =	swait.ge [sflag:s26], $0x2000  }
0x10b: {  	[sflag:s26] =	ssyncset.done $0x0  }
0x10c: {  	s19 =	rddreg [dreg:$0x9];
	[sflag:s26] =	ssyncadd.s32 $0xFFFFE000  }
0x10d: {  	[spmem:s19] =	stream.linear.scatter [tilespmem:s29], [sflag:$0x3], $0x2000, $0x38;
	[tilespmem:$0x1C000] =	vst v63  }
0x10e: {  	_ =	swait.ge [sflag:s26], $0x2000  }
0x10f: {  	[sflag:s26] =	ssyncset.done $0x0  }
0x110: {  	s22 =	rddreg [dreg:$0xd];
	[sflag:s26] =	ssyncadd.s32 $0xFFFFE000  }
0x111: {  	[tilespmem:s28], [sflag:$0x3] =	stream.linear.gather [hbm4b:s22+s21], $0x2000, $0x38;
	[tilespmem:$0x1C000] =	vst v63  }
0x112: {  	_ =	swait.ge [sflag:s26], $0x2000  }
0x113: {  	[sflag:s26] =	ssyncset.done $0x0  }
0x114: {  	s9 =	rddreg [dreg:$0x1e];
	[sflag:s26] =	ssyncadd.s32 $0xFFFFE000  }
0x115: {  	[hbm4b:s9+s21] =	stream.linear.scatter [tilespmem:s28], [sflag:$0x3], $0x2000, $0x38;
	[tilespmem:$0x1C000] =	vst v63  }
0x116: {  	_ =	swait.ge [sflag:s26], $0x2000  }
0x117: {  	[sflag:s26] =	ssyncset.done $0x0  }
0x118: {  	s15 =	rddreg [dreg:$0x1f];
	[sflag:s26] =	ssyncadd.s32 $0xFFFFE000  }
0x119: {  	[tilespmem:s29], [sflag:$0x3] =	stream.linear.gather [hbm4b:s15+s21], $0x2000, $0x38;
	[tilespmem:$0x1C000] =	vst v63  }
0x11a: {  	_ =	swait.ge [sflag:s26], $0x2000  }
0x11b: {  	[sflag:s26] =	ssyncset.done $0x0  }
0x11c: {  	s17 =	rddreg [dreg:$0xa];
	[sflag:s26] =	ssyncadd.s32 $0xFFFFE000  }
0x11d: {  	[spmem:s17] =	stream.linear.scatter [tilespmem:s29], [sflag:$0x3], $0x2000, $0x38;
	[tilespmem:$0x1C000] =	vst v63  }
0x11e: {  	_ =	swait.ge [sflag:s26], $0x2000  }
0x11f: {  	[sflag:s26] =	ssyncset.done $0x0  }
0x120: {  	s18 =	rddreg [dreg:$0xe];
	[sflag:s26] =	ssyncadd.s32 $0xFFFFE000  }
0x121: {  	[tilespmem:s28], [sflag:$0x3] =	stream.linear.gather [hbm4b:s18+s21], $0x2000, $0x38;
	[tilespmem:$0x1C000] =	vst v63  }
0x122: {  	_ =	swait.ge [sflag:s26], $0x2000  }
0x123: {  	s19 =	sld [smem:$0x7FA]  }
0x124: {  	[sflag:s26] =	ssyncset.done $0x0  }
0x125: {  	[sflag:s26] =	ssyncadd.s32 $0xFFFFE000  }
0x126: {  	[hbm4b:s19+s21] =	stream.linear.scatter [tilespmem:s28], [sflag:$0x3], $0x2000, $0x38;
	[tilespmem:$0x1C000] =	vst v63  }
0x127: {  	_ =	swait.ge [sflag:s26], $0x2000  }
0x128: {  	s22 =	sld [smem:$0x7FB]  }
0x129: {  	[sflag:s26] =	ssyncset.done $0x0  }
0x12a: {  	[sflag:s26] =	ssyncadd.s32 $0xFFFFE000  }
0x12b: {  	[tilespmem:s29], [sflag:$0x3] =	stream.linear.gather [hbm4b:s22+s21], $0x2000, $0x38;
	[tilespmem:$0x1C000] =	vst v63  }
0x12c: {  	_ =	swait.ge [sflag:s26], $0x2000  }
0x12d: {  	[sflag:s26] =	ssyncset.done $0x0  }
0x12e: {  	[sflag:s26] =	ssyncadd.s32 $0xFFFFE000  }
0x12f: {  	[spmem:s24] =	stream.linear.scatter [tilespmem:s29], [sflag:$0x3], $0x2000, $0x38;
	[tilespmem:$0x1C000] =	vst v63  }
0x130: {  	_ =	swait.ge [sflag:s26], $0x2000  }
0x131: {  	[sflag:s26] =	ssyncset.done $0x0  }
0x132: {  	[sflag:s26] =	ssyncadd.s32 $0xFFFFE000  }
0x133: {  	s22 =	simm.s32 $0x0;
	[bflag:$0x0] =	sbarrier.arrive $0xFFFF  }
.LBB2_3:
0x134: {  	_ =	strace $0x80000048  }
0x135: {  	[tilespmem:s28], [sflag:$0x1] =	stream.indirect.gather [hbm4b:s6+s30], $0x40, s21, s30, $0x2000b8;
	[tilespmem:$0x1C000] =	vst v63  }
0x136: {  	_ = 	snop  }
0x137: {  	[tilespmem:s29], [sflag:$0x1] =	stream.indirect.gather [hbm4b:s6+s30], $0x40, s30, s30, $0x2000b8;
	[tilespmem:$0x1C000] =	vst v63  }
0x138: {  	_ =	swait.ge [sflag:s31], $0x2000  }
0x139: {  	[sflag:s31] =	ssyncset.done $0x0  }
0x13a: {  	[sflag:s31] =	ssyncadd.s32 $0xFFFFE000  }
0x13b: {  	_ =	swait.ge [sflag:s31], $0x2000  }
0x13c: {  	[sflag:s31] =	ssyncset.done $0x0  }
0x13d: {  	[sflag:s31] =	ssyncadd.s32 $0xFFFFE000  }
0x13e: {  	[tilespmem:s0], [sflag:$0x1] =	stream.linear.gather [hbm4b:s11+s21], $0x2000, $0x200038;
	[tilespmem:$0x1C000] =	vst v63  }
0x13f: {  	_ = 	snop  }
0x140: {  	[tilespmem:s1], [sflag:$0x1] =	stream.linear.gather [hbm4b:s12+s21], $0x2000, $0x200038;
	[tilespmem:$0x1C000] =	vst v63  }
0x141: {  	_ = 	snop  }
0x142: {  	[spmem:s2] =	stream.linear.scatter [tilespmem:s28], [sflag:$0x2], $0x2000, $0x200038;
	[tilespmem:$0x1C000] =	vst v63  }
0x143: {  	_ = 	snop  }
0x144: {  	[spmem:s23] =	stream.linear.scatter [tilespmem:s29], [sflag:$0x2], $0x2000, $0x200038;
	[tilespmem:$0x1C000] =	vst v63  }
0x145: {  	_ =	swait.ge [sflag:s16], $0x2000  }
0x146: {  	[sflag:s16] =	ssyncset.done $0x0  }
0x147: {  	[sflag:s16] =	ssyncadd.s32 $0xFFFFE000  }
0x148: {  	_ =	swait.ge [sflag:s16], $0x2000  }
0x149: {  	[sflag:s16] =	ssyncset.done $0x0  }
0x14a: {  	[sflag:s16] =	ssyncadd.s32 $0xFFFFE000  }
0x14b: {  	_ =	swait.ge [sflag:s31], $0x2000  }
0x14c: {  	[sflag:s31] =	ssyncset.done $0x0  }
0x14d: {  	[sflag:s31] =	ssyncadd.s32 $0xFFFFE000  }
0x14e: {  	_ =	swait.ge [sflag:s31], $0x2000  }
0x14f: {  	[sflag:s31] =	ssyncset.done $0x0  }
0x150: {  	[sflag:s31] =	ssyncadd.s32 $0xFFFFE000  }
0x151: {  	[bflag:$0x0] =	sbarrier.arrive $0xFFFF  }
0x152: {  	_ =	strace $0x90000048  }
0x153: {  	s8 =	simm.s32 $0x0;
	_ =	strace $0x80000049  }
.LBB2_4:
0x154: {  	s9 =	sshll.u32 s8, $0xD  }
0x155: {  	s15 =	sadd.s32 s10, s9  }
0x156: {  	s9 =	sadd.s32 s15, s2  }
0x157: {  	[tilespmem:s28], [sflag:$0x3] =	stream.linear.gather [spmem:s9], $0x2000, $0x200038;
	[tilespmem:$0x1C000] =	vst v63  }
0x158: {  	_ =	swait.ge [sflag:s26], $0x2000  }
0x159: {  	s15 =	sshrl.u32 s15, $0x3;
	[sflag:s26] =	ssyncset.done $0x0  }
0x15a: {  	s18 =	simm.s32 $0x0;
	s17 =	sadd.s32 s4, s15;
	[sflag:s26] =	ssyncadd.s32 $0xFFFFE000  }
0x15b: {  	[tilespmem:s29], [sflag:$0x3] =	stream.linear.gather [hbm4b:s17+s18], $0x2000, $0x200038;
	[tilespmem:$0x1C000] =	vst v63  }
0x15c: {  	_ =	swait.ge [sflag:s26], $0x2000  }
0x15d: {  	[sflag:s26] =	ssyncset.done $0x0  }
0x15e: {  	s17 =	simm.s32 $0x0;
	[sflag:s26] =	ssyncadd.s32 $0xFFFFE000  }
0x15f: {  	v0 =	vld [tilespmem:s17+$0xA000]  }
0x160: {  	v2 =	vld [tilespmem:s17+$0xA010]  }
0x161: {  	s18 =	simm.s32 $0x100;
	v1 =	vld [tilespmem:s17+$0xA020]  }
.LBB2_5:
0x162: {  	p1 =	sne.s32 s18, $0x7F00;
	v3 =	vld [tilespmem:s17+$0xA030];
	_ =	sdelay $0x1  }
0x163: {  	v0 =	vmul.f32 $8.999999760e-01, v0  }
.Ltmp7:
0x164: {  	v2 =	vmul.f32 $8.999999760e-01, v2;
	(pc) =	sbr.rel @p1 .LBB2_5-.Ltmp7, $4  }
0x165: {  	s19 =	sshra.s32 s18, $0x2;
	[tilespmem:s17+$0xA000] =	vst v0;
	v1 =	vmul.f32 $8.999999760e-01, v1  }
0x166: {  	v0 =	vld [tilespmem:s19+$0xA000];
	[tilespmem:s17+$0xA010] =	vst v2;
	v3 =	vmul.f32 $8.999999760e-01, v3  }
0x167: {  	v2 =	vld [tilespmem:s19+$0xA010];
	[tilespmem:s17+$0xA020] =	vst v1  }
0x168: {  	s18 =	sadd.s32 $0x100, s18;
	v1 =	vld [tilespmem:s19+$0xA020];
	[tilespmem:s17+$0xA030] =	vst v3;
	s17 =	smov.u32 s19  }
0x169: {  	v3 =	vld [tilespmem:s17+$0xA030];
	_ =	sdelay $0x1  }
0x16a: {  	v0 =	vmul.f32 $8.999999760e-01, v0  }
0x16b: {  	v2 =	vmul.f32 $8.999999760e-01, v2  }
0x16c: {  	[tilespmem:s17+$0xA000] =	vst v0;
	v62 =	vmul.f32 $8.999999760e-01, v1  }
0x16d: {  	[tilespmem:s17+$0xA010] =	vst v2;
	v63 =	vmul.f32 $8.999999760e-01, v3  }
0x16e: {  	[tilespmem:s17+$0xA020] =	vst v62  }
0x16f: {  	s15 =	sadd.s32 s6, s15;
	[tilespmem:s17+$0xA030] =	vst v63  }
0x170: {  	[hbm4b:s15+s3] =	stream.linear.scatter [tilespmem:s28], [sflag:$0x3], $0x2000, $0x200038;
	[tilespmem:$0x1C000] =	vst v63  }
0x171: {  	s8 =	sadd.s32 $0x1, s8;
	_ =	swait.ge [sflag:s26], $0x2000  }
0x172: {  	p1 =	sne.s32 s8, $0x5;
	[sflag:s26] =	ssyncset.done $0x0  }
.Ltmp8:
0x173: {  	[sflag:s26] =	ssyncadd.s32 $0xFFFFE000;
	(pc) =	sbr.rel @p1 .LBB2_4-.Ltmp8, $4  }
0x174: {  	[spmem:s9] =	stream.linear.scatter [tilespmem:s29], [sflag:$0x3], $0x2000, $0x200038;
	[tilespmem:$0x1C000] =	vst v63  }
0x175: {  	_ =	swait.ge [sflag:s26], $0x2000  }
0x176: {  	[sflag:s26] =	ssyncset.done $0x0  }
0x177: {  	[sflag:s26] =	ssyncadd.s32 $0xFFFFE000  }
0x178: {  	s22 =	sadd.s32 $0x1, s22  }
0x179: {  	p1 =	seq.s32 s22, $0xA  }
.Ltmp9:
0x17a: {  	_ = 	snop;
	(pc) =	sbr.rel @!p1 .LBB2_3-.Ltmp9, $4  }
.Ltmp10:
0x17b: {  	_ = 	snop;
	(pc) =	sbr.rel @p1 .LBB2_14-.Ltmp10, $4  }
0x17c: {  	_ = 	snop  }
0x17d: {  	[bflag:$0x0] =	sbarrier.arrive $0xFFFF  }
0x17e: {  	_ =	strace $0x90000049  }
0x17f: {  	_ = 	snop  }
.LBB2_15:
0x180: {  	_ =	sfence.sel $0x180000  }
0x181: {  	[bflag:$0x0] =	sbarrier.arrive $0xFFFF  }
0x182: {  	_ =	strace $0x90000047  }
0x183: {  	s0 =	stileid.u32;
	[bflag:$0x2] =	sbarrier.arrive $0xFFFF  }
0x184: {  	p0 =	sne.s32 s0, $0x0;
	s0 =	rddreg [dreg:$0x3]  }
0x185: {  	s0 =	sadd.s32 @!p0 $0x100000, s0  }
0x186: {  	[sflag:s0] =	ssyncadd.tile.s32 @!p0 $0x1;
	_ =	shalt  }
.Lfunc_end2:
_tile_overlayer_lowered:
.L_overlay_start_2:
0x187: {  	(tag) =	ssettag $0x2  }
0x188: {  	s0 =	rddreg [dreg:$0x0];
	s2 =	stileid.u32  }
0x189: {  	s1 =	rddreg [dreg:$0x1];
	p0 =	sne.s32 s2, $0x0  }
0x18a: {  	s3 =	rddreg [dreg:$0x2];
	[bflag:$0x3] =	sbarrier.arrive $0xFFFF;
	s2 =	simm.s32 @!p0 $0x1C03  }
0x18b: {  	[timem:s3], [sflag:s2] =	dma.local @!p0 [hbm:s0], s1  }
0x18c: {  	s0 =	simm.s32 @!p0 $0x3  }
0x18d: {  	_ =	swait.ge @!p0 [sflag:s0], s1  }
0x18e: {  	s1 =	ssub.s32 @!p0 $0x0, s1;
	[sflag:s0] =	ssyncset.done @!p0 $0x0  }
0x18f: {  	[sflag:s0] =	ssyncadd.s32 @!p0 s1  }
0x190: {  	[bflag:$0x3] =	sbarrier.arrive $0xFFFF  }
0x191: {  	_ =	shalt  }

</sc_bundles>
